<compile_context>
chip_gen: v7x
topology: tpu7x:2x2x1
jax: 0.10.2.dev20260603
libtpu: 0.0.44.dev20260713+nightly
codegen_flags: <defaults>
</compile_context>

<pallas_src>
import functools

import jax
import jax.numpy as jnp
from jax import lax
from jax.experimental import pallas as pl
from jax.experimental.pallas import tpu as pltpu
from jax.experimental.pallas import tpu_sc as plsc

B = 16384
D = 64
NS = 16
H = 62500
NG = B // 16
UNROLL = 4
CAP = B + 16


_mesh = plsc.VectorSubcoreMesh(
    core_axis_name="c", subcore_axis_name="s", num_cores=1)


@functools.partial(
    pl.kernel,
    mesh=_mesh,
    out_type=jax.ShapeDtypeStruct((B, D), jnp.float32),
    compiler_params=pltpu.CompilerParams(
        needs_layout_passes=False, use_tc_tiling_on_sc=False),
    scratch_types=[
        pltpu.VMEM((B,), jnp.int32),
        pltpu.VMEM((CAP,), jnp.int32),
        pltpu.VMEM((H,), jnp.int32),
        pltpu.VMEM((128,), jnp.int32),
        pltpu.VMEM((128,), jnp.int32),
        pltpu.VMEM((128, D), jnp.float32),
        pltpu.SemaphoreType.DMA,
    ],
)
def _sc_update_gather(ids_hbm, msgs_hbm, out_hbm,
                      ids_v, occ_v, tloc_v, widx_v, oidx_v, rows_v, sem):
    s = lax.axis_index("s")
    lane = lax.iota(jnp.int32, 16)

    pltpu.sync_copy(ids_hbm, ids_v)

    def scan_step(gg, ptr):
        for u in range(UNROLL):
            g = gg * UNROLL + u
            ids = ids_v[pl.ds(g * 16, 16)]
            own = (ids & 15) == s
            v = ((ids >> 4) << 14) + (g * 16 + lane)
            plsc.store_compressed(occ_v.at[pl.ds(ptr, 16)], v, mask=own)
            ptr = ptr + jnp.sum(own.astype(jnp.int32))
        return ptr

    n = lax.fori_loop(0, NG // UNROLL, scan_step, jnp.int32(0))

    shift_idx = [jnp.minimum(lane + k, 15) for k in range(1, 16)]
    shift_ok = [lane + k <= 15 for k in range(1, 16)]

    def table_step(g, carry):
        nv = n - g * 16
        valid = lane < nv
        v = jnp.where(valid, occ_v[pl.ds(g * 16, 16)], 0)
        h = v >> 14
        beaten = h != h
        for k in range(15):
            nb = h.at[shift_idx[k]].get(mode="promise_in_bounds")
            beaten = beaten | ((nb == h) & shift_ok[k] & ((lane + k + 1) < nv))
        keep = (~beaten) & valid
        plsc.store_scatter(tloc_v, [h], v & 16383, mask=keep)
        return carry

    lax.fori_loop(0, (n + 15) // 16, table_step, 0)

    zeros16 = lane * 0

    def emit_step(j, carry):
        w0 = zeros16
        o0 = zeros16
        for k in range(8):
            off = j * 128 + k * 16
            valid = (off + lane) < n
            v = jnp.where(valid, occ_v[pl.ds(off, 16)], 0)
            h = v >> 14
            i = v & 16383
            w = plsc.load_gather(tloc_v, [h])
            if k == 0:
                w0 = w.at[zeros16].get(mode="promise_in_bounds")
                o0 = i.at[zeros16].get(mode="promise_in_bounds")
            widx_v[pl.ds(k * 16, 16)] = jnp.where(valid, w, w0)
            oidx_v[pl.ds(k * 16, 16)] = jnp.where(valid, i, o0)
        pltpu.async_copy(msgs_hbm.at[widx_v], rows_v, sem).wait()
        pltpu.async_copy(rows_v, out_hbm.at[oidx_v], sem).wait()
        return carry

    lax.fori_loop(0, (n + 127) // 128, emit_step, 0)


def kernel(node_ids, messages, timestamps, memory, last_update):
    del timestamps, memory, last_update
    return _sc_update_gather(node_ids, messages)

# --- scband reference (transcript-rebuilt; emitter-appended) ---
"""Pipeline reference for scband-memory-module-20409684590935 (READ-ONLY COPY).

The authoritative reference and input builder live on the scoring server;
editing this copy changes nothing except your own understanding.
"""

import jax, jax.numpy as jnp
import numpy as np

NUM_NODES = 1000000
MEMORY_DIM = 64
BATCH = 16384

def setup_inputs(seed: int = 0) -> dict:
    key = jax.random.key(seed)
    k1, k2, k3 = jax.random.split(key, 3)
    node_ids = jax.random.randint(k1, (BATCH,), 0, NUM_NODES, dtype=jnp.int32)
    messages = jax.random.normal(k2, (BATCH, MEMORY_DIM), dtype=jnp.float32)
    timestamps = jax.random.randint(k3, (BATCH,), 0, NUM_NODES, dtype=jnp.int32)
    # registered buffers (state), zero-initialized as in the torch module
    memory = jnp.zeros((NUM_NODES, MEMORY_DIM), dtype=jnp.float32)
    last_update = jnp.zeros((NUM_NODES,), dtype=jnp.int32)
    return {"node_ids": node_ids, "messages": messages, "timestamps": timestamps,
            "memory": memory, "last_update": last_update}

def reference(node_ids, messages, timestamps, memory, last_update):
    # update_memory: scatter-overwrite into the memory table and timestamp buffer
    new_memory = memory.at[node_ids].set(messages)
    new_last_update = last_update.at[node_ids].set(timestamps)
    # get_memory: gather the (just-updated) rows
    out = new_memory[node_ids]
    return out

if __name__ == "__main__":
    import jax
    _d = setup_inputs()
    print(jax.jit(kernel)(*tuple(_d.values())))

</pallas_src>

<mosaic_0001>
#map = affine_map<(d0, d1) -> (0)>
#map1 = affine_map<(d0, d1) -> (0, 0)>
module attributes {stable_mosaic.version = 14 : i64} {
  func.func @_sc_update_gather(%arg0: i32, %arg1: i32, %arg2: memref<16384xi32, #tpu.memory_space<hbm>>, %arg3: memref<16384x64xf32, #tpu.memory_space<hbm>>, %arg4: memref<16384x64xf32, #tpu.memory_space<hbm>>, %arg5: memref<16384xi32, #tpu.memory_space<vmem>>, %arg6: memref<16400xi32, #tpu.memory_space<vmem>>, %arg7: memref<62500xi32, #tpu.memory_space<vmem>>, %arg8: memref<128xi32, #tpu.memory_space<vmem>>, %arg9: memref<128xi32, #tpu.memory_space<vmem>>, %arg10: memref<128x64xf32, #tpu.memory_space<vmem>>, %arg11: memref<!tpu.dma_semaphore, #tpu.memory_space<semaphore_mem>>) attributes {dimension_semantics = [#tpu.dimension_semantics<core_parallel>, #tpu.dimension_semantics<subcore_parallel>], iteration_bounds = array<i64: 1, 16>, scalar_prefetch = 0 : i64, scratch_operands = 7 : i64, tpu.core_type = #tpu.core_type<sc_vector_subcore>, window_params = [{transform_indices = #map}, {transform_indices = #map1}, {transform_indices = #map1}]} {
    %iota3A = tpu.iota {dimensions = array<i32: 0>} : vector<16xi32>
    "tpu.region"() ({
      %run_scoped3A = tpu.sem_alloc : memref<!tpu.dma_semaphore, #tpu.memory_space<semaphore_mem>>
      tpu.enqueue_dma source(%arg2 : memref<16384xi32, #tpu.memory_space<hbm>>) target(%arg5 : memref<16384xi32, #tpu.memory_space<vmem>>) target_semaphore(%run_scoped3A : memref<!tpu.dma_semaphore, #tpu.memory_space<semaphore_mem>>)
      tpu.wait_dma2 semaphore(%run_scoped3A : memref<!tpu.dma_semaphore, #tpu.memory_space<semaphore_mem>>) src(%arg2 : memref<16384xi32, #tpu.memory_space<hbm>>) dst(%arg5 : memref<16384xi32, #tpu.memory_space<vmem>>)
      tpu.yield
    }) : () -> ()
    %scan3A = arith.constant 0 : i32
    %scan3A_0 = arith.constant 0 : i32
    %scan3A_1 = arith.constant 256 : i32
    %scan3A_2 = arith.addi %scan3A_0, %scan3A_1 : i32
    %scan3A_3 = arith.constant 1 : i32
    %scan3A_4 = scf.for %scan3A_248 = %scan3A_0 to %scan3A_2 step %scan3A_3 iter_args(%scan3A_249 = %scan3A) -> (i32)  : i32 {
      %mul3A_250 = arith.constant 4 : i32
      %mul3A_251 = arith.muli %scan3A_248, %mul3A_250 : i32
      %add3A_252 = arith.constant 0 : i32
      %add3A_253 = arith.addi %mul3A_251, %add3A_252 : i32
      %mul3A_254 = arith.constant 16 : i32
      %mul3A_255 = arith.muli %add3A_253, %mul3A_254 : i32
      %get3A = arith.index_cast %mul3A_255 : i32 to index
      %get3A_256 = tpu.vector_load %arg5[%get3A] {strides = array<i32>} : memref<16384xi32, #tpu.memory_space<vmem>>, vector<16xi32>,
      %and3A_257 = arith.constant 15 : i32
      %and3A_258 = vector.broadcast %and3A_257 : i32 to vector<16xi32>
      %and3A_259 = arith.andi %get3A_256, %and3A_258 : vector<16xi32>
      %eq3A = vector.broadcast %arg1 : i32 to vector<16xi32>
      %eq3A_260 = arith.cmpi eq, %and3A_259, %eq3A : vector<16xi32>
      %shift_right_arithmetic3A = arith.constant 4 : i32
      %shift_right_arithmetic3A_261 = vector.broadcast %shift_right_arithmetic3A : i32 to vector<16xi32>
      %shift_right_arithmetic3A_262 = arith.shrsi %get3A_256, %shift_right_arithmetic3A_261 : vector<16xi32>
      %shift_left3A = arith.constant 14 : i32
      %shift_left3A_263 = vector.broadcast %shift_left3A : i32 to vector<16xi32>
      %shift_left3A_264 = arith.shli %shift_right_arithmetic3A_262, %shift_left3A_263 : vector<16xi32>
      %mul3A_265 = arith.constant 16 : i32
      %mul3A_266 = arith.muli %add3A_253, %mul3A_265 : i32
      %add3A_267 = vector.broadcast %mul3A_266 : i32 to vector<16xi32>
      %add3A_268 = arith.addi %add3A_267, %iota3A : vector<16xi32>
      %add3A_269 = arith.addi %shift_left3A_264, %add3A_268 : vector<16xi32>
      %swap3A = arith.index_cast %scan3A_249 : i32 to index
      %swap3A_270 = tpu.vector_load %arg6[%swap3A] masked %eq3A_260 {strides = array<i32>} : memref<16400xi32, #tpu.memory_space<vmem>>, vector<16xi32>, vector<16xi1>
      tpu.vector_store %arg6[%swap3A], %add3A_269 masked %eq3A_260 {strides = array<i32>} : memref<16400xi32, #tpu.memory_space<vmem>>, vector<16xi32>, vector<16xi1>
      %convert_element_type3A = arith.extui %eq3A_260 : vector<16xi1> to vector<16xi32>
      %reduce_sum3A = arith.constant true
      %reduce_sum3A_271 = vector.broadcast %reduce_sum3A : i1 to vector<16xi1>
      %reduce_sum3A_272 = tpu.scan <sum>, %convert_element_type3A masked %reduce_sum3A_271 : vector<16xi32>, vector<16xi1> -> vector<16xi32>
      %reduce_sum3A_273 = vector.extract %reduce_sum3A_272[15] : i32 from vector<16xi32>
      %add3A_274 = arith.addi %scan3A_249, %reduce_sum3A_273 : i32
      %mul3A_275 = arith.constant 4 : i32
      %mul3A_276 = arith.muli %scan3A_248, %mul3A_275 : i32
      %add3A_277 = arith.constant 1 : i32
      %add3A_278 = arith.addi %mul3A_276, %add3A_277 : i32
      %mul3A_279 = arith.constant 16 : i32
      %mul3A_280 = arith.muli %add3A_278, %mul3A_279 : i32
      %get3A_281 = arith.index_cast %mul3A_280 : i32 to index
      %get3A_282 = tpu.vector_load %arg5[%get3A_281] {strides = array<i32>} : memref<16384xi32, #tpu.memory_space<vmem>>, vector<16xi32>,
      %and3A_283 = arith.constant 15 : i32
      %and3A_284 = vector.broadcast %and3A_283 : i32 to vector<16xi32>
      %and3A_285 = arith.andi %get3A_282, %and3A_284 : vector<16xi32>
      %eq3A_286 = vector.broadcast %arg1 : i32 to vector<16xi32>
      %eq3A_287 = arith.cmpi eq, %and3A_285, %eq3A_286 : vector<16xi32>
      %shift_right_arithmetic3A_288 = arith.constant 4 : i32
      %shift_right_arithmetic3A_289 = vector.broadcast %shift_right_arithmetic3A_288 : i32 to vector<16xi32>
      %shift_right_arithmetic3A_290 = arith.shrsi %get3A_282, %shift_right_arithmetic3A_289 : vector<16xi32>
      %shift_left3A_291 = arith.constant 14 : i32
      %shift_left3A_292 = vector.broadcast %shift_left3A_291 : i32 to vector<16xi32>
      %shift_left3A_293 = arith.shli %shift_right_arithmetic3A_290, %shift_left3A_292 : vector<16xi32>
      %mul3A_294 = arith.constant 16 : i32
      %mul3A_295 = arith.muli %add3A_278, %mul3A_294 : i32
      %add3A_296 = vector.broadcast %mul3A_295 : i32 to vector<16xi32>
      %add3A_297 = arith.addi %add3A_296, %iota3A : vector<16xi32>
      %add3A_298 = arith.addi %shift_left3A_293, %add3A_297 : vector<16xi32>
      %swap3A_299 = arith.index_cast %add3A_274 : i32 to index
      %swap3A_300 = tpu.vector_load %arg6[%swap3A_299] masked %eq3A_287 {strides = array<i32>} : memref<16400xi32, #tpu.memory_space<vmem>>, vector<16xi32>, vector<16xi1>
      tpu.vector_store %arg6[%swap3A_299], %add3A_298 masked %eq3A_287 {strides = array<i32>} : memref<16400xi32, #tpu.memory_space<vmem>>, vector<16xi32>, vector<16xi1>
      %convert_element_type3A_301 = arith.extui %eq3A_287 : vector<16xi1> to vector<16xi32>
      %reduce_sum3A_302 = arith.constant true
      %reduce_sum3A_303 = vector.broadcast %reduce_sum3A_302 : i1 to vector<16xi1>
      %reduce_sum3A_304 = tpu.scan <sum>, %convert_element_type3A_301 masked %reduce_sum3A_303 : vector<16xi32>, vector<16xi1> -> vector<16xi32>
      %reduce_sum3A_305 = vector.extract %reduce_sum3A_304[15] : i32 from vector<16xi32>
      %add3A_306 = arith.addi %add3A_274, %reduce_sum3A_305 : i32
      %mul3A_307 = arith.constant 4 : i32
      %mul3A_308 = arith.muli %scan3A_248, %mul3A_307 : i32
      %add3A_309 = arith.constant 2 : i32
      %add3A_310 = arith.addi %mul3A_308, %add3A_309 : i32
      %mul3A_311 = arith.constant 16 : i32
      %mul3A_312 = arith.muli %add3A_310, %mul3A_311 : i32
      %get3A_313 = arith.index_cast %mul3A_312 : i32 to index
      %get3A_314 = tpu.vector_load %arg5[%get3A_313] {strides = array<i32>} : memref<16384xi32, #tpu.memory_space<vmem>>, vector<16xi32>,
      %and3A_315 = arith.constant 15 : i32
      %and3A_316 = vector.broadcast %and3A_315 : i32 to vector<16xi32>
      %and3A_317 = arith.andi %get3A_314, %and3A_316 : vector<16xi32>
      %eq3A_318 = vector.broadcast %arg1 : i32 to vector<16xi32>
      %eq3A_319 = arith.cmpi eq, %and3A_317, %eq3A_318 : vector<16xi32>
      %shift_right_arithmetic3A_320 = arith.constant 4 : i32
      %shift_right_arithmetic3A_321 = vector.broadcast %shift_right_arithmetic3A_320 : i32 to vector<16xi32>
      %shift_right_arithmetic3A_322 = arith.shrsi %get3A_314, %shift_right_arithmetic3A_321 : vector<16xi32>
      %shift_left3A_323 = arith.constant 14 : i32
      %shift_left3A_324 = vector.broadcast %shift_left3A_323 : i32 to vector<16xi32>
      %shift_left3A_325 = arith.shli %shift_right_arithmetic3A_322, %shift_left3A_324 : vector<16xi32>
      %mul3A_326 = arith.constant 16 : i32
      %mul3A_327 = arith.muli %add3A_310, %mul3A_326 : i32
      %add3A_328 = vector.broadcast %mul3A_327 : i32 to vector<16xi32>
      %add3A_329 = arith.addi %add3A_328, %iota3A : vector<16xi32>
      %add3A_330 = arith.addi %shift_left3A_325, %add3A_329 : vector<16xi32>
      %swap3A_331 = arith.index_cast %add3A_306 : i32 to index
      %swap3A_332 = tpu.vector_load %arg6[%swap3A_331] masked %eq3A_319 {strides = array<i32>} : memref<16400xi32, #tpu.memory_space<vmem>>, vector<16xi32>, vector<16xi1>
      tpu.vector_store %arg6[%swap3A_331], %add3A_330 masked %eq3A_319 {strides = array<i32>} : memref<16400xi32, #tpu.memory_space<vmem>>, vector<16xi32>, vector<16xi1>
      %convert_element_type3A_333 = arith.extui %eq3A_319 : vector<16xi1> to vector<16xi32>
      %reduce_sum3A_334 = arith.constant true
      %reduce_sum3A_335 = vector.broadcast %reduce_sum3A_334 : i1 to vector<16xi1>
      %reduce_sum3A_336 = tpu.scan <sum>, %convert_element_type3A_333 masked %reduce_sum3A_335 : vector<16xi32>, vector<16xi1> -> vector<16xi32>
      %reduce_sum3A_337 = vector.extract %reduce_sum3A_336[15] : i32 from vector<16xi32>
      %add3A_338 = arith.addi %add3A_306, %reduce_sum3A_337 : i32
      %mul3A_339 = arith.constant 4 : i32
      %mul3A_340 = arith.muli %scan3A_248, %mul3A_339 : i32
      %add3A_341 = arith.constant 3 : i32
      %add3A_342 = arith.addi %mul3A_340, %add3A_341 : i32
      %mul3A_343 = arith.constant 16 : i32
      %mul3A_344 = arith.muli %add3A_342, %mul3A_343 : i32
      %get3A_345 = arith.index_cast %mul3A_344 : i32 to index
      %get3A_346 = tpu.vector_load %arg5[%get3A_345] {strides = array<i32>} : memref<16384xi32, #tpu.memory_space<vmem>>, vector<16xi32>,
      %and3A_347 = arith.constant 15 : i32
      %and3A_348 = vector.broadcast %and3A_347 : i32 to vector<16xi32>
      %and3A_349 = arith.andi %get3A_346, %and3A_348 : vector<16xi32>
      %eq3A_350 = vector.broadcast %arg1 : i32 to vector<16xi32>
      %eq3A_351 = arith.cmpi eq, %and3A_349, %eq3A_350 : vector<16xi32>
      %shift_right_arithmetic3A_352 = arith.constant 4 : i32
      %shift_right_arithmetic3A_353 = vector.broadcast %shift_right_arithmetic3A_352 : i32 to vector<16xi32>
      %shift_right_arithmetic3A_354 = arith.shrsi %get3A_346, %shift_right_arithmetic3A_353 : vector<16xi32>
      %shift_left3A_355 = arith.constant 14 : i32
      %shift_left3A_356 = vector.broadcast %shift_left3A_355 : i32 to vector<16xi32>
      %shift_left3A_357 = arith.shli %shift_right_arithmetic3A_354, %shift_left3A_356 : vector<16xi32>
      %mul3A_358 = arith.constant 16 : i32
      %mul3A_359 = arith.muli %add3A_342, %mul3A_358 : i32
      %add3A_360 = vector.broadcast %mul3A_359 : i32 to vector<16xi32>
      %add3A_361 = arith.addi %add3A_360, %iota3A : vector<16xi32>
      %add3A_362 = arith.addi %shift_left3A_357, %add3A_361 : vector<16xi32>
      %swap3A_363 = arith.index_cast %add3A_338 : i32 to index
      %swap3A_364 = tpu.vector_load %arg6[%swap3A_363] masked %eq3A_351 {strides = array<i32>} : memref<16400xi32, #tpu.memory_space<vmem>>, vector<16xi32>, vector<16xi1>
      tpu.vector_store %arg6[%swap3A_363], %add3A_362 masked %eq3A_351 {strides = array<i32>} : memref<16400xi32, #tpu.memory_space<vmem>>, vector<16xi32>, vector<16xi1>
      %convert_element_type3A_365 = arith.extui %eq3A_351 : vector<16xi1> to vector<16xi32>
      %reduce_sum3A_366 = arith.constant true
      %reduce_sum3A_367 = vector.broadcast %reduce_sum3A_366 : i1 to vector<16xi1>
      %reduce_sum3A_368 = tpu.scan <sum>, %convert_element_type3A_365 masked %reduce_sum3A_367 : vector<16xi32>, vector<16xi1> -> vector<16xi32>
      %reduce_sum3A_369 = vector.extract %reduce_sum3A_368[15] : i32 from vector<16xi32>
      %add3A_370 = arith.addi %add3A_338, %reduce_sum3A_369 : i32
      scf.yield %add3A_370 : i32
    }
    %scan3A_5 = arith.constant 256 : i32
    %add3A = arith.constant 1 : i32
    %add3A_6 = vector.broadcast %add3A : i32 to vector<16xi32>
    %add3A_7 = arith.addi %iota3A, %add3A_6 : vector<16xi32>
    %min3A = arith.constant 15 : i32
    %min3A_8 = vector.broadcast %min3A : i32 to vector<16xi32>
    %min3A_9 = arith.minsi %add3A_7, %min3A_8 : vector<16xi32>
    %add3A_10 = arith.constant 2 : i32
    %add3A_11 = vector.broadcast %add3A_10 : i32 to vector<16xi32>
    %add3A_12 = arith.addi %iota3A, %add3A_11 : vector<16xi32>
    %min3A_13 = arith.constant 15 : i32
    %min3A_14 = vector.broadcast %min3A_13 : i32 to vector<16xi32>
    %min3A_15 = arith.minsi %add3A_12, %min3A_14 : vector<16xi32>
    %add3A_16 = arith.constant 3 : i32
    %add3A_17 = vector.broadcast %add3A_16 : i32 to vector<16xi32>
    %add3A_18 = arith.addi %iota3A, %add3A_17 : vector<16xi32>
    %min3A_19 = arith.constant 15 : i32
    %min3A_20 = vector.broadcast %min3A_19 : i32 to vector<16xi32>
    %min3A_21 = arith.minsi %add3A_18, %min3A_20 : vector<16xi32>
    %add3A_22 = arith.constant 4 : i32
    %add3A_23 = vector.broadcast %add3A_22 : i32 to vector<16xi32>
    %add3A_24 = arith.addi %iota3A, %add3A_23 : vector<16xi32>
    %min3A_25 = arith.constant 15 : i32
    %min3A_26 = vector.broadcast %min3A_25 : i32 to vector<16xi32>
    %min3A_27 = arith.minsi %add3A_24, %min3A_26 : vector<16xi32>
    %add3A_28 = arith.constant 5 : i32
    %add3A_29 = vector.broadcast %add3A_28 : i32 to vector<16xi32>
    %add3A_30 = arith.addi %iota3A, %add3A_29 : vector<16xi32>
    %min3A_31 = arith.constant 15 : i32
    %min3A_32 = vector.broadcast %min3A_31 : i32 to vector<16xi32>
    %min3A_33 = arith.minsi %add3A_30, %min3A_32 : vector<16xi32>
    %add3A_34 = arith.constant 6 : i32
    %add3A_35 = vector.broadcast %add3A_34 : i32 to vector<16xi32>
    %add3A_36 = arith.addi %iota3A, %add3A_35 : vector<16xi32>
    %min3A_37 = arith.constant 15 : i32
    %min3A_38 = vector.broadcast %min3A_37 : i32 to vector<16xi32>
    %min3A_39 = arith.minsi %add3A_36, %min3A_38 : vector<16xi32>
    %add3A_40 = arith.constant 7 : i32
    %add3A_41 = vector.broadcast %add3A_40 : i32 to vector<16xi32>
    %add3A_42 = arith.addi %iota3A, %add3A_41 : vector<16xi32>
    %min3A_43 = arith.constant 15 : i32
    %min3A_44 = vector.broadcast %min3A_43 : i32 to vector<16xi32>
    %min3A_45 = arith.minsi %add3A_42, %min3A_44 : vector<16xi32>
    %add3A_46 = arith.constant 8 : i32
    %add3A_47 = vector.broadcast %add3A_46 : i32 to vector<16xi32>
    %add3A_48 = arith.addi %iota3A, %add3A_47 : vector<16xi32>
    %min3A_49 = arith.constant 15 : i32
    %min3A_50 = vector.broadcast %min3A_49 : i32 to vector<16xi32>
    %min3A_51 = arith.minsi %add3A_48, %min3A_50 : vector<16xi32>
    %add3A_52 = arith.constant 9 : i32
    %add3A_53 = vector.broadcast %add3A_52 : i32 to vector<16xi32>
    %add3A_54 = arith.addi %iota3A, %add3A_53 : vector<16xi32>
    %min3A_55 = arith.constant 15 : i32
    %min3A_56 = vector.broadcast %min3A_55 : i32 to vector<16xi32>
    %min3A_57 = arith.minsi %add3A_54, %min3A_56 : vector<16xi32>
    %add3A_58 = arith.constant 10 : i32
    %add3A_59 = vector.broadcast %add3A_58 : i32 to vector<16xi32>
    %add3A_60 = arith.addi %iota3A, %add3A_59 : vector<16xi32>
    %min3A_61 = arith.constant 15 : i32
    %min3A_62 = vector.broadcast %min3A_61 : i32 to vector<16xi32>
    %min3A_63 = arith.minsi %add3A_60, %min3A_62 : vector<16xi32>
    %add3A_64 = arith.constant 11 : i32
    %add3A_65 = vector.broadcast %add3A_64 : i32 to vector<16xi32>
    %add3A_66 = arith.addi %iota3A, %add3A_65 : vector<16xi32>
    %min3A_67 = arith.constant 15 : i32
    %min3A_68 = vector.broadcast %min3A_67 : i32 to vector<16xi32>
    %min3A_69 = arith.minsi %add3A_66, %min3A_68 : vector<16xi32>
    %add3A_70 = arith.constant 12 : i32
    %add3A_71 = vector.broadcast %add3A_70 : i32 to vector<16xi32>
    %add3A_72 = arith.addi %iota3A, %add3A_71 : vector<16xi32>
    %min3A_73 = arith.constant 15 : i32
    %min3A_74 = vector.broadcast %min3A_73 : i32 to vector<16xi32>
    %min3A_75 = arith.minsi %add3A_72, %min3A_74 : vector<16xi32>
    %add3A_76 = arith.constant 13 : i32
    %add3A_77 = vector.broadcast %add3A_76 : i32 to vector<16xi32>
    %add3A_78 = arith.addi %iota3A, %add3A_77 : vector<16xi32>
    %min3A_79 = arith.constant 15 : i32
    %min3A_80 = vector.broadcast %min3A_79 : i32 to vector<16xi32>
    %min3A_81 = arith.minsi %add3A_78, %min3A_80 : vector<16xi32>
    %add3A_82 = arith.constant 14 : i32
    %add3A_83 = vector.broadcast %add3A_82 : i32 to vector<16xi32>
    %add3A_84 = arith.addi %iota3A, %add3A_83 : vector<16xi32>
    %min3A_85 = arith.constant 15 : i32
    %min3A_86 = vector.broadcast %min3A_85 : i32 to vector<16xi32>
    %min3A_87 = arith.minsi %add3A_84, %min3A_86 : vector<16xi32>
    %add3A_88 = arith.constant 15 : i32
    %add3A_89 = vector.broadcast %add3A_88 : i32 to vector<16xi32>
    %add3A_90 = arith.addi %iota3A, %add3A_89 : vector<16xi32>
    %min3A_91 = arith.constant 15 : i32
    %min3A_92 = vector.broadcast %min3A_91 : i32 to vector<16xi32>
    %min3A_93 = arith.minsi %add3A_90, %min3A_92 : vector<16xi32>
    %add3A_94 = arith.constant 1 : i32
    %add3A_95 = vector.broadcast %add3A_94 : i32 to vector<16xi32>
    %add3A_96 = arith.addi %iota3A, %add3A_95 : vector<16xi32>
    %le3A = arith.constant 15 : i32
    %le3A_97 = vector.broadcast %le3A : i32 to vector<16xi32>
    %le3A_98 = arith.cmpi sle, %add3A_96, %le3A_97 : vector<16xi32>
    %add3A_99 = arith.constant 2 : i32
    %add3A_100 = vector.broadcast %add3A_99 : i32 to vector<16xi32>
    %add3A_101 = arith.addi %iota3A, %add3A_100 : vector<16xi32>
    %le3A_102 = arith.constant 15 : i32
    %le3A_103 = vector.broadcast %le3A_102 : i32 to vector<16xi32>
    %le3A_104 = arith.cmpi sle, %add3A_101, %le3A_103 : vector<16xi32>
    %add3A_105 = arith.constant 3 : i32
    %add3A_106 = vector.broadcast %add3A_105 : i32 to vector<16xi32>
    %add3A_107 = arith.addi %iota3A, %add3A_106 : vector<16xi32>
    %le3A_108 = arith.constant 15 : i32
    %le3A_109 = vector.broadcast %le3A_108 : i32 to vector<16xi32>
    %le3A_110 = arith.cmpi sle, %add3A_107, %le3A_109 : vector<16xi32>
    %add3A_111 = arith.constant 4 : i32
    %add3A_112 = vector.broadcast %add3A_111 : i32 to vector<16xi32>
    %add3A_113 = arith.addi %iota3A, %add3A_112 : vector<16xi32>
    %le3A_114 = arith.constant 15 : i32
    %le3A_115 = vector.broadcast %le3A_114 : i32 to vector<16xi32>
    %le3A_116 = arith.cmpi sle, %add3A_113, %le3A_115 : vector<16xi32>
    %add3A_117 = arith.constant 5 : i32
    %add3A_118 = vector.broadcast %add3A_117 : i32 to vector<16xi32>
    %add3A_119 = arith.addi %iota3A, %add3A_118 : vector<16xi32>
    %le3A_120 = arith.constant 15 : i32
    %le3A_121 = vector.broadcast %le3A_120 : i32 to vector<16xi32>
    %le3A_122 = arith.cmpi sle, %add3A_119, %le3A_121 : vector<16xi32>
    %add3A_123 = arith.constant 6 : i32
    %add3A_124 = vector.broadcast %add3A_123 : i32 to vector<16xi32>
    %add3A_125 = arith.addi %iota3A, %add3A_124 : vector<16xi32>
    %le3A_126 = arith.constant 15 : i32
    %le3A_127 = vector.broadcast %le3A_126 : i32 to vector<16xi32>
    %le3A_128 = arith.cmpi sle, %add3A_125, %le3A_127 : vector<16xi32>
    %add3A_129 = arith.constant 7 : i32
    %add3A_130 = vector.broadcast %add3A_129 : i32 to vector<16xi32>
    %add3A_131 = arith.addi %iota3A, %add3A_130 : vector<16xi32>
    %le3A_132 = arith.constant 15 : i32
    %le3A_133 = vector.broadcast %le3A_132 : i32 to vector<16xi32>
    %le3A_134 = arith.cmpi sle, %add3A_131, %le3A_133 : vector<16xi32>
    %add3A_135 = arith.constant 8 : i32
    %add3A_136 = vector.broadcast %add3A_135 : i32 to vector<16xi32>
    %add3A_137 = arith.addi %iota3A, %add3A_136 : vector<16xi32>
    %le3A_138 = arith.constant 15 : i32
    %le3A_139 = vector.broadcast %le3A_138 : i32 to vector<16xi32>
    %le3A_140 = arith.cmpi sle, %add3A_137, %le3A_139 : vector<16xi32>
    %add3A_141 = arith.constant 9 : i32
    %add3A_142 = vector.broadcast %add3A_141 : i32 to vector<16xi32>
    %add3A_143 = arith.addi %iota3A, %add3A_142 : vector<16xi32>
    %le3A_144 = arith.constant 15 : i32
    %le3A_145 = vector.broadcast %le3A_144 : i32 to vector<16xi32>
    %le3A_146 = arith.cmpi sle, %add3A_143, %le3A_145 : vector<16xi32>
    %add3A_147 = arith.constant 10 : i32
    %add3A_148 = vector.broadcast %add3A_147 : i32 to vector<16xi32>
    %add3A_149 = arith.addi %iota3A, %add3A_148 : vector<16xi32>
    %le3A_150 = arith.constant 15 : i32
    %le3A_151 = vector.broadcast %le3A_150 : i32 to vector<16xi32>
    %le3A_152 = arith.cmpi sle, %add3A_149, %le3A_151 : vector<16xi32>
    %add3A_153 = arith.constant 11 : i32
    %add3A_154 = vector.broadcast %add3A_153 : i32 to vector<16xi32>
    %add3A_155 = arith.addi %iota3A, %add3A_154 : vector<16xi32>
    %le3A_156 = arith.constant 15 : i32
    %le3A_157 = vector.broadcast %le3A_156 : i32 to vector<16xi32>
    %le3A_158 = arith.cmpi sle, %add3A_155, %le3A_157 : vector<16xi32>
    %add3A_159 = arith.constant 12 : i32
    %add3A_160 = vector.broadcast %add3A_159 : i32 to vector<16xi32>
    %add3A_161 = arith.addi %iota3A, %add3A_160 : vector<16xi32>
    %le3A_162 = arith.constant 15 : i32
    %le3A_163 = vector.broadcast %le3A_162 : i32 to vector<16xi32>
    %le3A_164 = arith.cmpi sle, %add3A_161, %le3A_163 : vector<16xi32>
    %add3A_165 = arith.constant 13 : i32
    %add3A_166 = vector.broadcast %add3A_165 : i32 to vector<16xi32>
    %add3A_167 = arith.addi %iota3A, %add3A_166 : vector<16xi32>
    %le3A_168 = arith.constant 15 : i32
    %le3A_169 = vector.broadcast %le3A_168 : i32 to vector<16xi32>
    %le3A_170 = arith.cmpi sle, %add3A_167, %le3A_169 : vector<16xi32>
    %add3A_171 = arith.constant 14 : i32
    %add3A_172 = vector.broadcast %add3A_171 : i32 to vector<16xi32>
    %add3A_173 = arith.addi %iota3A, %add3A_172 : vector<16xi32>
    %le3A_174 = arith.constant 15 : i32
    %le3A_175 = vector.broadcast %le3A_174 : i32 to vector<16xi32>
    %le3A_176 = arith.cmpi sle, %add3A_173, %le3A_175 : vector<16xi32>
    %add3A_177 = arith.constant 15 : i32
    %add3A_178 = vector.broadcast %add3A_177 : i32 to vector<16xi32>
    %add3A_179 = arith.addi %iota3A, %add3A_178 : vector<16xi32>
    %le3A_180 = arith.constant 15 : i32
    %le3A_181 = vector.broadcast %le3A_180 : i32 to vector<16xi32>
    %le3A_182 = arith.cmpi sle, %add3A_179, %le3A_181 : vector<16xi32>
    %add3A_183 = arith.constant 15 : i32
    %add3A_184 = arith.addi %scan3A_4, %add3A_183 : i32
    %jit3A = arith.constant 16 : i32
    %div3A = arith.divsi %add3A_184, %jit3A : i32
    %sign3A = arith.constant 0 : i32
    %sign3A_185 = arith.cmpi sgt, %add3A_184, %sign3A : i32
    %sign3A_186 = arith.extui %sign3A_185 : i1 to i32
    %sign3A_187 = arith.constant 0 : i32
    %sign3A_188 = arith.cmpi slt, %add3A_184, %sign3A_187 : i32
    %sign3A_189 = arith.extui %sign3A_188 : i1 to i32
    %sign3A_190 = arith.subi %sign3A_186, %sign3A_189 : i32
    %sign3A_191 = arith.constant 0 : i32
    %sign3A_192 = arith.cmpi sgt, %jit3A, %sign3A_191 : i32
    %sign3A_193 = arith.extui %sign3A_192 : i1 to i32
    %sign3A_194 = arith.constant 0 : i32
    %sign3A_195 = arith.cmpi slt, %jit3A, %sign3A_194 : i32
    %sign3A_196 = arith.extui %sign3A_195 : i1 to i32
    %sign3A_197 = arith.subi %sign3A_193, %sign3A_196 : i32
    %ne3A = arith.cmpi ne, %sign3A_190, %sign3A_197 : i32
    %rem3A = arith.remsi %add3A_184, %jit3A : i32
    %ne3A_198 = arith.constant 0 : i32
    %ne3A_199 = arith.cmpi ne, %rem3A, %ne3A_198 : i32
    %and3A = arith.andi %ne3A, %ne3A_199 : i1
    %sub3A = arith.constant 1 : i32
    %sub3A_200 = arith.subi %div3A, %sub3A : i32
    %select_n3A = arith.select %and3A, %sub3A_200, %div3A : i32
    %while3A = arith.constant 0 : i32
    %while3A_201 = arith.constant 0 : i32
    %while3A_202 = arith.subi %select_n3A, %while3A_201 : i32
    %while3A_203 = arith.addi %while3A_201, %while3A_202 : i32
    %while3A_204 = arith.constant 1 : i32
    %while3A_205 = arith.divsi %while3A_202, %while3A_204 : i32
    %while3A_206 = arith.muli %while3A_205, %while3A_204 : i32
    %while3A_207 = arith.addi %while3A_201, %while3A_206 : i32
    %while3A_208 = arith.constant 1 : i32
    scf.for %while3A_248 = %while3A_201 to %while3A_207 step %while3A_208  : i32 {
      %mul3A_249 = arith.constant 16 : i32
      %mul3A_250 = arith.muli %while3A_248, %mul3A_249 : i32
      %sub3A_251 = arith.subi %scan3A_4, %mul3A_250 : i32
      %lt3A = vector.broadcast %sub3A_251 : i32 to vector<16xi32>
      %lt3A_252 = arith.cmpi slt, %iota3A, %lt3A : vector<16xi32>
      %mul3A_253 = arith.constant 16 : i32
      %mul3A_254 = arith.muli %while3A_248, %mul3A_253 : i32
      %get3A = arith.index_cast %mul3A_254 : i32 to index
      %get3A_255 = tpu.vector_load %arg6[%get3A] {strides = array<i32>} : memref<16400xi32, #tpu.memory_space<vmem>>, vector<16xi32>,
      %jit3A_256 = arith.constant 0 : i32
      %broadcast_in_dim3A = vector.broadcast %jit3A_256 : i32 to vector<16xi32>
      %select_n3A_257 = arith.select %lt3A_252, %get3A_255, %broadcast_in_dim3A : vector<16xi1>, vector<16xi32>
      %shift_right_arithmetic3A = arith.constant 14 : i32
      %shift_right_arithmetic3A_258 = vector.broadcast %shift_right_arithmetic3A : i32 to vector<16xi32>
      %shift_right_arithmetic3A_259 = arith.shrsi %select_n3A_257, %shift_right_arithmetic3A_258 : vector<16xi32>
      %ne3A_260 = arith.cmpi ne, %shift_right_arithmetic3A_259, %shift_right_arithmetic3A_259 : vector<16xi32>
      %lt3A_261 = arith.constant 0 : i32
      %lt3A_262 = vector.broadcast %lt3A_261 : i32 to vector<16xi32>
      %lt3A_263 = arith.cmpi slt, %min3A_9, %lt3A_262 : vector<16xi32>
      %add3A_264 = arith.constant 16 : i32
      %add3A_265 = vector.broadcast %add3A_264 : i32 to vector<16xi32>
      %add3A_266 = arith.addi %min3A_9, %add3A_265 : vector<16xi32>
      %select_n3A_267 = arith.select %lt3A_263, %add3A_266, %min3A_9 : vector<16xi1>, vector<16xi32>
      %broadcast_in_dim3A_268 = vector.shape_cast %select_n3A_267 : vector<16xi32> to vector<16x1xi32>
      %gather3A = vector.shape_cast %broadcast_in_dim3A_268 : vector<16x1xi32> to vector<16xi32>
      %gather3A_269 = tpu.dynamic_gather %shift_right_arithmetic3A_259[%gather3A] in [0] : vector<16xi32>, vector<16xi32> -> vector<16xi32>
      %eq3A = arith.cmpi eq, %gather3A_269, %shift_right_arithmetic3A_259 : vector<16xi32>
      %and3A_270 = arith.andi %eq3A, %le3A_98 : vector<16xi1>
      %add3A_271 = arith.constant 0 : i32
      %add3A_272 = vector.broadcast %add3A_271 : i32 to vector<16xi32>
      %add3A_273 = arith.addi %iota3A, %add3A_272 : vector<16xi32>
      %add3A_274 = arith.constant 1 : i32
      %add3A_275 = vector.broadcast %add3A_274 : i32 to vector<16xi32>
      %add3A_276 = arith.addi %add3A_273, %add3A_275 : vector<16xi32>
      %lt3A_277 = vector.broadcast %sub3A_251 : i32 to vector<16xi32>
      %lt3A_278 = arith.cmpi slt, %add3A_276, %lt3A_277 : vector<16xi32>
      %and3A_279 = arith.andi %and3A_270, %lt3A_278 : vector<16xi1>
      %or3A = arith.ori %ne3A_260, %and3A_279 : vector<16xi1>
      %lt3A_280 = arith.constant 0 : i32
      %lt3A_281 = vector.broadcast %lt3A_280 : i32 to vector<16xi32>
      %lt3A_282 = arith.cmpi slt, %min3A_15, %lt3A_281 : vector<16xi32>
      %add3A_283 = arith.constant 16 : i32
      %add3A_284 = vector.broadcast %add3A_283 : i32 to vector<16xi32>
      %add3A_285 = arith.addi %min3A_15, %add3A_284 : vector<16xi32>
      %select_n3A_286 = arith.select %lt3A_282, %add3A_285, %min3A_15 : vector<16xi1>, vector<16xi32>
      %broadcast_in_dim3A_287 = vector.shape_cast %select_n3A_286 : vector<16xi32> to vector<16x1xi32>
      %gather3A_288 = vector.shape_cast %broadcast_in_dim3A_287 : vector<16x1xi32> to vector<16xi32>
      %gather3A_289 = tpu.dynamic_gather %shift_right_arithmetic3A_259[%gather3A_288] in [0] : vector<16xi32>, vector<16xi32> -> vector<16xi32>
      %eq3A_290 = arith.cmpi eq, %gather3A_289, %shift_right_arithmetic3A_259 : vector<16xi32>
      %and3A_291 = arith.andi %eq3A_290, %le3A_104 : vector<16xi1>
      %add3A_292 = arith.constant 1 : i32
      %add3A_293 = vector.broadcast %add3A_292 : i32 to vector<16xi32>
      %add3A_294 = arith.addi %iota3A, %add3A_293 : vector<16xi32>
      %add3A_295 = arith.constant 1 : i32
      %add3A_296 = vector.broadcast %add3A_295 : i32 to vector<16xi32>
      %add3A_297 = arith.addi %add3A_294, %add3A_296 : vector<16xi32>
      %lt3A_298 = vector.broadcast %sub3A_251 : i32 to vector<16xi32>
      %lt3A_299 = arith.cmpi slt, %add3A_297, %lt3A_298 : vector<16xi32>
      %and3A_300 = arith.andi %and3A_291, %lt3A_299 : vector<16xi1>
      %or3A_301 = arith.ori %or3A, %and3A_300 : vector<16xi1>
      %lt3A_302 = arith.constant 0 : i32
      %lt3A_303 = vector.broadcast %lt3A_302 : i32 to vector<16xi32>
      %lt3A_304 = arith.cmpi slt, %min3A_21, %lt3A_303 : vector<16xi32>
      %add3A_305 = arith.constant 16 : i32
      %add3A_306 = vector.broadcast %add3A_305 : i32 to vector<16xi32>
      %add3A_307 = arith.addi %min3A_21, %add3A_306 : vector<16xi32>
      %select_n3A_308 = arith.select %lt3A_304, %add3A_307, %min3A_21 : vector<16xi1>, vector<16xi32>
      %broadcast_in_dim3A_309 = vector.shape_cast %select_n3A_308 : vector<16xi32> to vector<16x1xi32>
      %gather3A_310 = vector.shape_cast %broadcast_in_dim3A_309 : vector<16x1xi32> to vector<16xi32>
      %gather3A_311 = tpu.dynamic_gather %shift_right_arithmetic3A_259[%gather3A_310] in [0] : vector<16xi32>, vector<16xi32> -> vector<16xi32>
      %eq3A_312 = arith.cmpi eq, %gather3A_311, %shift_right_arithmetic3A_259 : vector<16xi32>
      %and3A_313 = arith.andi %eq3A_312, %le3A_110 : vector<16xi1>
      %add3A_314 = arith.constant 2 : i32
      %add3A_315 = vector.broadcast %add3A_314 : i32 to vector<16xi32>
      %add3A_316 = arith.addi %iota3A, %add3A_315 : vector<16xi32>
      %add3A_317 = arith.constant 1 : i32
      %add3A_318 = vector.broadcast %add3A_317 : i32 to vector<16xi32>
      %add3A_319 = arith.addi %add3A_316, %add3A_318 : vector<16xi32>
      %lt3A_320 = vector.broadcast %sub3A_251 : i32 to vector<16xi32>
      %lt3A_321 = arith.cmpi slt, %add3A_319, %lt3A_320 : vector<16xi32>
      %and3A_322 = arith.andi %and3A_313, %lt3A_321 : vector<16xi1>
      %or3A_323 = arith.ori %or3A_301, %and3A_322 : vector<16xi1>
      %lt3A_324 = arith.constant 0 : i32
      %lt3A_325 = vector.broadcast %lt3A_324 : i32 to vector<16xi32>
      %lt3A_326 = arith.cmpi slt, %min3A_27, %lt3A_325 : vector<16xi32>
      %add3A_327 = arith.constant 16 : i32
      %add3A_328 = vector.broadcast %add3A_327 : i32 to vector<16xi32>
      %add3A_329 = arith.addi %min3A_27, %add3A_328 : vector<16xi32>
      %select_n3A_330 = arith.select %lt3A_326, %add3A_329, %min3A_27 : vector<16xi1>, vector<16xi32>
      %broadcast_in_dim3A_331 = vector.shape_cast %select_n3A_330 : vector<16xi32> to vector<16x1xi32>
      %gather3A_332 = vector.shape_cast %broadcast_in_dim3A_331 : vector<16x1xi32> to vector<16xi32>
      %gather3A_333 = tpu.dynamic_gather %shift_right_arithmetic3A_259[%gather3A_332] in [0] : vector<16xi32>, vector<16xi32> -> vector<16xi32>
      %eq3A_334 = arith.cmpi eq, %gather3A_333, %shift_right_arithmetic3A_259 : vector<16xi32>
      %and3A_335 = arith.andi %eq3A_334, %le3A_116 : vector<16xi1>
      %add3A_336 = arith.constant 3 : i32
      %add3A_337 = vector.broadcast %add3A_336 : i32 to vector<16xi32>
      %add3A_338 = arith.addi %iota3A, %add3A_337 : vector<16xi32>
      %add3A_339 = arith.constant 1 : i32
      %add3A_340 = vector.broadcast %add3A_339 : i32 to vector<16xi32>
      %add3A_341 = arith.addi %add3A_338, %add3A_340 : vector<16xi32>
      %lt3A_342 = vector.broadcast %sub3A_251 : i32 to vector<16xi32>
      %lt3A_343 = arith.cmpi slt, %add3A_341, %lt3A_342 : vector<16xi32>
      %and3A_344 = arith.andi %and3A_335, %lt3A_343 : vector<16xi1>
      %or3A_345 = arith.ori %or3A_323, %and3A_344 : vector<16xi1>
      %lt3A_346 = arith.constant 0 : i32
      %lt3A_347 = vector.broadcast %lt3A_346 : i32 to vector<16xi32>
      %lt3A_348 = arith.cmpi slt, %min3A_33, %lt3A_347 : vector<16xi32>
      %add3A_349 = arith.constant 16 : i32
      %add3A_350 = vector.broadcast %add3A_349 : i32 to vector<16xi32>
      %add3A_351 = arith.addi %min3A_33, %add3A_350 : vector<16xi32>
      %select_n3A_352 = arith.select %lt3A_348, %add3A_351, %min3A_33 : vector<16xi1>, vector<16xi32>
      %broadcast_in_dim3A_353 = vector.shape_cast %select_n3A_352 : vector<16xi32> to vector<16x1xi32>
      %gather3A_354 = vector.shape_cast %broadcast_in_dim3A_353 : vector<16x1xi32> to vector<16xi32>
      %gather3A_355 = tpu.dynamic_gather %shift_right_arithmetic3A_259[%gather3A_354] in [0] : vector<16xi32>, vector<16xi32> -> vector<16xi32>
      %eq3A_356 = arith.cmpi eq, %gather3A_355, %shift_right_arithmetic3A_259 : vector<16xi32>
      %and3A_357 = arith.andi %eq3A_356, %le3A_122 : vector<16xi1>
      %add3A_358 = arith.constant 4 : i32
      %add3A_359 = vector.broadcast %add3A_358 : i32 to vector<16xi32>
      %add3A_360 = arith.addi %iota3A, %add3A_359 : vector<16xi32>
      %add3A_361 = arith.constant 1 : i32
      %add3A_362 = vector.broadcast %add3A_361 : i32 to vector<16xi32>
      %add3A_363 = arith.addi %add3A_360, %add3A_362 : vector<16xi32>
      %lt3A_364 = vector.broadcast %sub3A_251 : i32 to vector<16xi32>
      %lt3A_365 = arith.cmpi slt, %add3A_363, %lt3A_364 : vector<16xi32>
      %and3A_366 = arith.andi %and3A_357, %lt3A_365 : vector<16xi1>
      %or3A_367 = arith.ori %or3A_345, %and3A_366 : vector<16xi1>
      %lt3A_368 = arith.constant 0 : i32
      %lt3A_369 = vector.broadcast %lt3A_368 : i32 to vector<16xi32>
      %lt3A_370 = arith.cmpi slt, %min3A_39, %lt3A_369 : vector<16xi32>
      %add3A_371 = arith.constant 16 : i32
      %add3A_372 = vector.broadcast %add3A_371 : i32 to vector<16xi32>
      %add3A_373 = arith.addi %min3A_39, %add3A_372 : vector<16xi32>
      %select_n3A_374 = arith.select %lt3A_370, %add3A_373, %min3A_39 : vector<16xi1>, vector<16xi32>
      %broadcast_in_dim3A_375 = vector.shape_cast %select_n3A_374 : vector<16xi32> to vector<16x1xi32>
      %gather3A_376 = vector.shape_cast %broadcast_in_dim3A_375 : vector<16x1xi32> to vector<16xi32>
      %gather3A_377 = tpu.dynamic_gather %shift_right_arithmetic3A_259[%gather3A_376] in [0] : vector<16xi32>, vector<16xi32> -> vector<16xi32>
      %eq3A_378 = arith.cmpi eq, %gather3A_377, %shift_right_arithmetic3A_259 : vector<16xi32>
      %and3A_379 = arith.andi %eq3A_378, %le3A_128 : vector<16xi1>
      %add3A_380 = arith.constant 5 : i32
      %add3A_381 = vector.broadcast %add3A_380 : i32 to vector<16xi32>
      %add3A_382 = arith.addi %iota3A, %add3A_381 : vector<16xi32>
      %add3A_383 = arith.constant 1 : i32
      %add3A_384 = vector.broadcast %add3A_383 : i32 to vector<16xi32>
      %add3A_385 = arith.addi %add3A_382, %add3A_384 : vector<16xi32>
      %lt3A_386 = vector.broadcast %sub3A_251 : i32 to vector<16xi32>
      %lt3A_387 = arith.cmpi slt, %add3A_385, %lt3A_386 : vector<16xi32>
      %and3A_388 = arith.andi %and3A_379, %lt3A_387 : vector<16xi1>
      %or3A_389 = arith.ori %or3A_367, %and3A_388 : vector<16xi1>
      %lt3A_390 = arith.constant 0 : i32
      %lt3A_391 = vector.broadcast %lt3A_390 : i32 to vector<16xi32>
      %lt3A_392 = arith.cmpi slt, %min3A_45, %lt3A_391 : vector<16xi32>
      %add3A_393 = arith.constant 16 : i32
      %add3A_394 = vector.broadcast %add3A_393 : i32 to vector<16xi32>
      %add3A_395 = arith.addi %min3A_45, %add3A_394 : vector<16xi32>
      %select_n3A_396 = arith.select %lt3A_392, %add3A_395, %min3A_45 : vector<16xi1>, vector<16xi32>
      %broadcast_in_dim3A_397 = vector.shape_cast %select_n3A_396 : vector<16xi32> to vector<16x1xi32>
      %gather3A_398 = vector.shape_cast %broadcast_in_dim3A_397 : vector<16x1xi32> to vector<16xi32>
      %gather3A_399 = tpu.dynamic_gather %shift_right_arithmetic3A_259[%gather3A_398] in [0] : vector<16xi32>, vector<16xi32> -> vector<16xi32>
      %eq3A_400 = arith.cmpi eq, %gather3A_399, %shift_right_arithmetic3A_259 : vector<16xi32>
      %and3A_401 = arith.andi %eq3A_400, %le3A_134 : vector<16xi1>
      %add3A_402 = arith.constant 6 : i32
      %add3A_403 = vector.broadcast %add3A_402 : i32 to vector<16xi32>
      %add3A_404 = arith.addi %iota3A, %add3A_403 : vector<16xi32>
      %add3A_405 = arith.constant 1 : i32
      %add3A_406 = vector.broadcast %add3A_405 : i32 to vector<16xi32>
      %add3A_407 = arith.addi %add3A_404, %add3A_406 : vector<16xi32>
      %lt3A_408 = vector.broadcast %sub3A_251 : i32 to vector<16xi32>
      %lt3A_409 = arith.cmpi slt, %add3A_407, %lt3A_408 : vector<16xi32>
      %and3A_410 = arith.andi %and3A_401, %lt3A_409 : vector<16xi1>
      %or3A_411 = arith.ori %or3A_389, %and3A_410 : vector<16xi1>
      %lt3A_412 = arith.constant 0 : i32
      %lt3A_413 = vector.broadcast %lt3A_412 : i32 to vector<16xi32>
      %lt3A_414 = arith.cmpi slt, %min3A_51, %lt3A_413 : vector<16xi32>
      %add3A_415 = arith.constant 16 : i32
      %add3A_416 = vector.broadcast %add3A_415 : i32 to vector<16xi32>
      %add3A_417 = arith.addi %min3A_51, %add3A_416 : vector<16xi32>
      %select_n3A_418 = arith.select %lt3A_414, %add3A_417, %min3A_51 : vector<16xi1>, vector<16xi32>
      %broadcast_in_dim3A_419 = vector.shape_cast %select_n3A_418 : vector<16xi32> to vector<16x1xi32>
      %gather3A_420 = vector.shape_cast %broadcast_in_dim3A_419 : vector<16x1xi32> to vector<16xi32>
      %gather3A_421 = tpu.dynamic_gather %shift_right_arithmetic3A_259[%gather3A_420] in [0] : vector<16xi32>, vector<16xi32> -> vector<16xi32>
      %eq3A_422 = arith.cmpi eq, %gather3A_421, %shift_right_arithmetic3A_259 : vector<16xi32>
      %and3A_423 = arith.andi %eq3A_422, %le3A_140 : vector<16xi1>
      %add3A_424 = arith.constant 7 : i32
      %add3A_425 = vector.broadcast %add3A_424 : i32 to vector<16xi32>
      %add3A_426 = arith.addi %iota3A, %add3A_425 : vector<16xi32>
      %add3A_427 = arith.constant 1 : i32
      %add3A_428 = vector.broadcast %add3A_427 : i32 to vector<16xi32>
      %add3A_429 = arith.addi %add3A_426, %add3A_428 : vector<16xi32>
      %lt3A_430 = vector.broadcast %sub3A_251 : i32 to vector<16xi32>
      %lt3A_431 = arith.cmpi slt, %add3A_429, %lt3A_430 : vector<16xi32>
      %and3A_432 = arith.andi %and3A_423, %lt3A_431 : vector<16xi1>
      %or3A_433 = arith.ori %or3A_411, %and3A_432 : vector<16xi1>
      %lt3A_434 = arith.constant 0 : i32
      %lt3A_435 = vector.broadcast %lt3A_434 : i32 to vector<16xi32>
      %lt3A_436 = arith.cmpi slt, %min3A_57, %lt3A_435 : vector<16xi32>
      %add3A_437 = arith.constant 16 : i32
      %add3A_438 = vector.broadcast %add3A_437 : i32 to vector<16xi32>
      %add3A_439 = arith.addi %min3A_57, %add3A_438 : vector<16xi32>
      %select_n3A_440 = arith.select %lt3A_436, %add3A_439, %min3A_57 : vector<16xi1>, vector<16xi32>
      %broadcast_in_dim3A_441 = vector.shape_cast %select_n3A_440 : vector<16xi32> to vector<16x1xi32>
      %gather3A_442 = vector.shape_cast %broadcast_in_dim3A_441 : vector<16x1xi32> to vector<16xi32>
      %gather3A_443 = tpu.dynamic_gather %shift_right_arithmetic3A_259[%gather3A_442] in [0] : vector<16xi32>, vector<16xi32> -> vector<16xi32>
      %eq3A_444 = arith.cmpi eq, %gather3A_443, %shift_right_arithmetic3A_259 : vector<16xi32>
      %and3A_445 = arith.andi %eq3A_444, %le3A_146 : vector<16xi1>
      %add3A_446 = arith.constant 8 : i32
      %add3A_447 = vector.broadcast %add3A_446 : i32 to vector<16xi32>
      %add3A_448 = arith.addi %iota3A, %add3A_447 : vector<16xi32>
      %add3A_449 = arith.constant 1 : i32
      %add3A_450 = vector.broadcast %add3A_449 : i32 to vector<16xi32>
      %add3A_451 = arith.addi %add3A_448, %add3A_450 : vector<16xi32>
      %lt3A_452 = vector.broadcast %sub3A_251 : i32 to vector<16xi32>
      %lt3A_453 = arith.cmpi slt, %add3A_451, %lt3A_452 : vector<16xi32>
      %and3A_454 = arith.andi %and3A_445, %lt3A_453 : vector<16xi1>
      %or3A_455 = arith.ori %or3A_433, %and3A_454 : vector<16xi1>
      %lt3A_456 = arith.constant 0 : i32
      %lt3A_457 = vector.broadcast %lt3A_456 : i32 to vector<16xi32>
      %lt3A_458 = arith.cmpi slt, %min3A_63, %lt3A_457 : vector<16xi32>
      %add3A_459 = arith.constant 16 : i32
      %add3A_460 = vector.broadcast %add3A_459 : i32 to vector<16xi32>
      %add3A_461 = arith.addi %min3A_63, %add3A_460 : vector<16xi32>
      %select_n3A_462 = arith.select %lt3A_458, %add3A_461, %min3A_63 : vector<16xi1>, vector<16xi32>
      %broadcast_in_dim3A_463 = vector.shape_cast %select_n3A_462 : vector<16xi32> to vector<16x1xi32>
      %gather3A_464 = vector.shape_cast %broadcast_in_dim3A_463 : vector<16x1xi32> to vector<16xi32>
      %gather3A_465 = tpu.dynamic_gather %shift_right_arithmetic3A_259[%gather3A_464] in [0] : vector<16xi32>, vector<16xi32> -> vector<16xi32>
      %eq3A_466 = arith.cmpi eq, %gather3A_465, %shift_right_arithmetic3A_259 : vector<16xi32>
      %and3A_467 = arith.andi %eq3A_466, %le3A_152 : vector<16xi1>
      %add3A_468 = arith.constant 9 : i32
      %add3A_469 = vector.broadcast %add3A_468 : i32 to vector<16xi32>
      %add3A_470 = arith.addi %iota3A, %add3A_469 : vector<16xi32>
      %add3A_471 = arith.constant 1 : i32
      %add3A_472 = vector.broadcast %add3A_471 : i32 to vector<16xi32>
      %add3A_473 = arith.addi %add3A_470, %add3A_472 : vector<16xi32>
      %lt3A_474 = vector.broadcast %sub3A_251 : i32 to vector<16xi32>
      %lt3A_475 = arith.cmpi slt, %add3A_473, %lt3A_474 : vector<16xi32>
      %and3A_476 = arith.andi %and3A_467, %lt3A_475 : vector<16xi1>
      %or3A_477 = arith.ori %or3A_455, %and3A_476 : vector<16xi1>
      %lt3A_478 = arith.constant 0 : i32
      %lt3A_479 = vector.broadcast %lt3A_478 : i32 to vector<16xi32>
      %lt3A_480 = arith.cmpi slt, %min3A_69, %lt3A_479 : vector<16xi32>
      %add3A_481 = arith.constant 16 : i32
      %add3A_482 = vector.broadcast %add3A_481 : i32 to vector<16xi32>
      %add3A_483 = arith.addi %min3A_69, %add3A_482 : vector<16xi32>
      %select_n3A_484 = arith.select %lt3A_480, %add3A_483, %min3A_69 : vector<16xi1>, vector<16xi32>
      %broadcast_in_dim3A_485 = vector.shape_cast %select_n3A_484 : vector<16xi32> to vector<16x1xi32>
      %gather3A_486 = vector.shape_cast %broadcast_in_dim3A_485 : vector<16x1xi32> to vector<16xi32>
      %gather3A_487 = tpu.dynamic_gather %shift_right_arithmetic3A_259[%gather3A_486] in [0] : vector<16xi32>, vector<16xi32> -> vector<16xi32>
      %eq3A_488 = arith.cmpi eq, %gather3A_487, %shift_right_arithmetic3A_259 : vector<16xi32>
      %and3A_489 = arith.andi %eq3A_488, %le3A_158 : vector<16xi1>
      %add3A_490 = arith.constant 10 : i32
      %add3A_491 = vector.broadcast %add3A_490 : i32 to vector<16xi32>
      %add3A_492 = arith.addi %iota3A, %add3A_491 : vector<16xi32>
      %add3A_493 = arith.constant 1 : i32
      %add3A_494 = vector.broadcast %add3A_493 : i32 to vector<16xi32>
      %add3A_495 = arith.addi %add3A_492, %add3A_494 : vector<16xi32>
      %lt3A_496 = vector.broadcast %sub3A_251 : i32 to vector<16xi32>
      %lt3A_497 = arith.cmpi slt, %add3A_495, %lt3A_496 : vector<16xi32>
      %and3A_498 = arith.andi %and3A_489, %lt3A_497 : vector<16xi1>
      %or3A_499 = arith.ori %or3A_477, %and3A_498 : vector<16xi1>
      %lt3A_500 = arith.constant 0 : i32
      %lt3A_501 = vector.broadcast %lt3A_500 : i32 to vector<16xi32>
      %lt3A_502 = arith.cmpi slt, %min3A_75, %lt3A_501 : vector<16xi32>
      %add3A_503 = arith.constant 16 : i32
      %add3A_504 = vector.broadcast %add3A_503 : i32 to vector<16xi32>
      %add3A_505 = arith.addi %min3A_75, %add3A_504 : vector<16xi32>
      %select_n3A_506 = arith.select %lt3A_502, %add3A_505, %min3A_75 : vector<16xi1>, vector<16xi32>
      %broadcast_in_dim3A_507 = vector.shape_cast %select_n3A_506 : vector<16xi32> to vector<16x1xi32>
      %gather3A_508 = vector.shape_cast %broadcast_in_dim3A_507 : vector<16x1xi32> to vector<16xi32>
      %gather3A_509 = tpu.dynamic_gather %shift_right_arithmetic3A_259[%gather3A_508] in [0] : vector<16xi32>, vector<16xi32> -> vector<16xi32>
      %eq3A_510 = arith.cmpi eq, %gather3A_509, %shift_right_arithmetic3A_259 : vector<16xi32>
      %and3A_511 = arith.andi %eq3A_510, %le3A_164 : vector<16xi1>
      %add3A_512 = arith.constant 11 : i32
      %add3A_513 = vector.broadcast %add3A_512 : i32 to vector<16xi32>
      %add3A_514 = arith.addi %iota3A, %add3A_513 : vector<16xi32>
      %add3A_515 = arith.constant 1 : i32
      %add3A_516 = vector.broadcast %add3A_515 : i32 to vector<16xi32>
      %add3A_517 = arith.addi %add3A_514, %add3A_516 : vector<16xi32>
      %lt3A_518 = vector.broadcast %sub3A_251 : i32 to vector<16xi32>
      %lt3A_519 = arith.cmpi slt, %add3A_517, %lt3A_518 : vector<16xi32>
      %and3A_520 = arith.andi %and3A_511, %lt3A_519 : vector<16xi1>
      %or3A_521 = arith.ori %or3A_499, %and3A_520 : vector<16xi1>
      %lt3A_522 = arith.constant 0 : i32
      %lt3A_523 = vector.broadcast %lt3A_522 : i32 to vector<16xi32>
      %lt3A_524 = arith.cmpi slt, %min3A_81, %lt3A_523 : vector<16xi32>
      %add3A_525 = arith.constant 16 : i32
      %add3A_526 = vector.broadcast %add3A_525 : i32 to vector<16xi32>
      %add3A_527 = arith.addi %min3A_81, %add3A_526 : vector<16xi32>
      %select_n3A_528 = arith.select %lt3A_524, %add3A_527, %min3A_81 : vector<16xi1>, vector<16xi32>
      %broadcast_in_dim3A_529 = vector.shape_cast %select_n3A_528 : vector<16xi32> to vector<16x1xi32>
      %gather3A_530 = vector.shape_cast %broadcast_in_dim3A_529 : vector<16x1xi32> to vector<16xi32>
      %gather3A_531 = tpu.dynamic_gather %shift_right_arithmetic3A_259[%gather3A_530] in [0] : vector<16xi32>, vector<16xi32> -> vector<16xi32>
      %eq3A_532 = arith.cmpi eq, %gather3A_531, %shift_right_arithmetic3A_259 : vector<16xi32>
      %and3A_533 = arith.andi %eq3A_532, %le3A_170 : vector<16xi1>
      %add3A_534 = arith.constant 12 : i32
      %add3A_535 = vector.broadcast %add3A_534 : i32 to vector<16xi32>
      %add3A_536 = arith.addi %iota3A, %add3A_535 : vector<16xi32>
      %add3A_537 = arith.constant 1 : i32
      %add3A_538 = vector.broadcast %add3A_537 : i32 to vector<16xi32>
      %add3A_539 = arith.addi %add3A_536, %add3A_538 : vector<16xi32>
      %lt3A_540 = vector.broadcast %sub3A_251 : i32 to vector<16xi32>
      %lt3A_541 = arith.cmpi slt, %add3A_539, %lt3A_540 : vector<16xi32>
      %and3A_542 = arith.andi %and3A_533, %lt3A_541 : vector<16xi1>
      %or3A_543 = arith.ori %or3A_521, %and3A_542 : vector<16xi1>
      %lt3A_544 = arith.constant 0 : i32
      %lt3A_545 = vector.broadcast %lt3A_544 : i32 to vector<16xi32>
      %lt3A_546 = arith.cmpi slt, %min3A_87, %lt3A_545 : vector<16xi32>
      %add3A_547 = arith.constant 16 : i32
      %add3A_548 = vector.broadcast %add3A_547 : i32 to vector<16xi32>
      %add3A_549 = arith.addi %min3A_87, %add3A_548 : vector<16xi32>
      %select_n3A_550 = arith.select %lt3A_546, %add3A_549, %min3A_87 : vector<16xi1>, vector<16xi32>
      %broadcast_in_dim3A_551 = vector.shape_cast %select_n3A_550 : vector<16xi32> to vector<16x1xi32>
      %gather3A_552 = vector.shape_cast %broadcast_in_dim3A_551 : vector<16x1xi32> to vector<16xi32>
      %gather3A_553 = tpu.dynamic_gather %shift_right_arithmetic3A_259[%gather3A_552] in [0] : vector<16xi32>, vector<16xi32> -> vector<16xi32>
      %eq3A_554 = arith.cmpi eq, %gather3A_553, %shift_right_arithmetic3A_259 : vector<16xi32>
      %and3A_555 = arith.andi %eq3A_554, %le3A_176 : vector<16xi1>
      %add3A_556 = arith.constant 13 : i32
      %add3A_557 = vector.broadcast %add3A_556 : i32 to vector<16xi32>
      %add3A_558 = arith.addi %iota3A, %add3A_557 : vector<16xi32>
      %add3A_559 = arith.constant 1 : i32
      %add3A_560 = vector.broadcast %add3A_559 : i32 to vector<16xi32>
      %add3A_561 = arith.addi %add3A_558, %add3A_560 : vector<16xi32>
      %lt3A_562 = vector.broadcast %sub3A_251 : i32 to vector<16xi32>
      %lt3A_563 = arith.cmpi slt, %add3A_561, %lt3A_562 : vector<16xi32>
      %and3A_564 = arith.andi %and3A_555, %lt3A_563 : vector<16xi1>
      %or3A_565 = arith.ori %or3A_543, %and3A_564 : vector<16xi1>
      %lt3A_566 = arith.constant 0 : i32
      %lt3A_567 = vector.broadcast %lt3A_566 : i32 to vector<16xi32>
      %lt3A_568 = arith.cmpi slt, %min3A_93, %lt3A_567 : vector<16xi32>
      %add3A_569 = arith.constant 16 : i32
      %add3A_570 = vector.broadcast %add3A_569 : i32 to vector<16xi32>
      %add3A_571 = arith.addi %min3A_93, %add3A_570 : vector<16xi32>
      %select_n3A_572 = arith.select %lt3A_568, %add3A_571, %min3A_93 : vector<16xi1>, vector<16xi32>
      %broadcast_in_dim3A_573 = vector.shape_cast %select_n3A_572 : vector<16xi32> to vector<16x1xi32>
      %gather3A_574 = vector.shape_cast %broadcast_in_dim3A_573 : vector<16x1xi32> to vector<16xi32>
      %gather3A_575 = tpu.dynamic_gather %shift_right_arithmetic3A_259[%gather3A_574] in [0] : vector<16xi32>, vector<16xi32> -> vector<16xi32>
      %eq3A_576 = arith.cmpi eq, %gather3A_575, %shift_right_arithmetic3A_259 : vector<16xi32>
      %and3A_577 = arith.andi %eq3A_576, %le3A_182 : vector<16xi1>
      %add3A_578 = arith.constant 14 : i32
      %add3A_579 = vector.broadcast %add3A_578 : i32 to vector<16xi32>
      %add3A_580 = arith.addi %iota3A, %add3A_579 : vector<16xi32>
      %add3A_581 = arith.constant 1 : i32
      %add3A_582 = vector.broadcast %add3A_581 : i32 to vector<16xi32>
      %add3A_583 = arith.addi %add3A_580, %add3A_582 : vector<16xi32>
      %lt3A_584 = vector.broadcast %sub3A_251 : i32 to vector<16xi32>
      %lt3A_585 = arith.cmpi slt, %add3A_583, %lt3A_584 : vector<16xi32>
      %and3A_586 = arith.andi %and3A_577, %lt3A_585 : vector<16xi1>
      %or3A_587 = arith.ori %or3A_565, %and3A_586 : vector<16xi1>
      %not3A = arith.constant dense<true> : vector<16xi1>
      %not3A_588 = arith.xori %or3A_587, %not3A : vector<16xi1>
      %and3A_589 = arith.andi %not3A_588, %lt3A_252 : vector<16xi1>
      %and3A_590 = arith.constant 16383 : i32
      %and3A_591 = vector.broadcast %and3A_590 : i32 to vector<16xi32>
      %and3A_592 = arith.andi %select_n3A_257, %and3A_591 : vector<16xi32>
      tpu.vector_store_idx %arg7[%shift_right_arithmetic3A_259], %and3A_592 masked %and3A_589 : memref<62500xi32, #tpu.memory_space<vmem>>[vector<16xi32>], vector<16xi32>, vector<16xi1>
    }
    %while3A_209 = arith.constant 1 : i32
    scf.for %while3A_248 = %while3A_207 to %while3A_203 step %while3A_209  : i32 {
      %mul3A_249 = arith.constant 16 : i32
      %mul3A_250 = arith.muli %while3A_248, %mul3A_249 : i32
      %sub3A_251 = arith.subi %scan3A_4, %mul3A_250 : i32
      %lt3A = vector.broadcast %sub3A_251 : i32 to vector<16xi32>
      %lt3A_252 = arith.cmpi slt, %iota3A, %lt3A : vector<16xi32>
      %mul3A_253 = arith.constant 16 : i32
      %mul3A_254 = arith.muli %while3A_248, %mul3A_253 : i32
      %get3A = arith.index_cast %mul3A_254 : i32 to index
      %get3A_255 = tpu.vector_load %arg6[%get3A] {strides = array<i32>} : memref<16400xi32, #tpu.memory_space<vmem>>, vector<16xi32>,
      %jit3A_256 = arith.constant 0 : i32
      %broadcast_in_dim3A = vector.broadcast %jit3A_256 : i32 to vector<16xi32>
      %select_n3A_257 = arith.select %lt3A_252, %get3A_255, %broadcast_in_dim3A : vector<16xi1>, vector<16xi32>
      %shift_right_arithmetic3A = arith.constant 14 : i32
      %shift_right_arithmetic3A_258 = vector.broadcast %shift_right_arithmetic3A : i32 to vector<16xi32>
      %shift_right_arithmetic3A_259 = arith.shrsi %select_n3A_257, %shift_right_arithmetic3A_258 : vector<16xi32>
      %ne3A_260 = arith.cmpi ne, %shift_right_arithmetic3A_259, %shift_right_arithmetic3A_259 : vector<16xi32>
      %lt3A_261 = arith.constant 0 : i32
      %lt3A_262 = vector.broadcast %lt3A_261 : i32 to vector<16xi32>
      %lt3A_263 = arith.cmpi slt, %min3A_9, %lt3A_262 : vector<16xi32>
      %add3A_264 = arith.constant 16 : i32
      %add3A_265 = vector.broadcast %add3A_264 : i32 to vector<16xi32>
      %add3A_266 = arith.addi %min3A_9, %add3A_265 : vector<16xi32>
      %select_n3A_267 = arith.select %lt3A_263, %add3A_266, %min3A_9 : vector<16xi1>, vector<16xi32>
      %broadcast_in_dim3A_268 = vector.shape_cast %select_n3A_267 : vector<16xi32> to vector<16x1xi32>
      %gather3A = vector.shape_cast %broadcast_in_dim3A_268 : vector<16x1xi32> to vector<16xi32>
      %gather3A_269 = tpu.dynamic_gather %shift_right_arithmetic3A_259[%gather3A] in [0] : vector<16xi32>, vector<16xi32> -> vector<16xi32>
      %eq3A = arith.cmpi eq, %gather3A_269, %shift_right_arithmetic3A_259 : vector<16xi32>
      %and3A_270 = arith.andi %eq3A, %le3A_98 : vector<16xi1>
      %add3A_271 = arith.constant 0 : i32
      %add3A_272 = vector.broadcast %add3A_271 : i32 to vector<16xi32>
      %add3A_273 = arith.addi %iota3A, %add3A_272 : vector<16xi32>
      %add3A_274 = arith.constant 1 : i32
      %add3A_275 = vector.broadcast %add3A_274 : i32 to vector<16xi32>
      %add3A_276 = arith.addi %add3A_273, %add3A_275 : vector<16xi32>
      %lt3A_277 = vector.broadcast %sub3A_251 : i32 to vector<16xi32>
      %lt3A_278 = arith.cmpi slt, %add3A_276, %lt3A_277 : vector<16xi32>
      %and3A_279 = arith.andi %and3A_270, %lt3A_278 : vector<16xi1>
      %or3A = arith.ori %ne3A_260, %and3A_279 : vector<16xi1>
      %lt3A_280 = arith.constant 0 : i32
      %lt3A_281 = vector.broadcast %lt3A_280 : i32 to vector<16xi32>
      %lt3A_282 = arith.cmpi slt, %min3A_15, %lt3A_281 : vector<16xi32>
      %add3A_283 = arith.constant 16 : i32
      %add3A_284 = vector.broadcast %add3A_283 : i32 to vector<16xi32>
      %add3A_285 = arith.addi %min3A_15, %add3A_284 : vector<16xi32>
      %select_n3A_286 = arith.select %lt3A_282, %add3A_285, %min3A_15 : vector<16xi1>, vector<16xi32>
      %broadcast_in_dim3A_287 = vector.shape_cast %select_n3A_286 : vector<16xi32> to vector<16x1xi32>
      %gather3A_288 = vector.shape_cast %broadcast_in_dim3A_287 : vector<16x1xi32> to vector<16xi32>
      %gather3A_289 = tpu.dynamic_gather %shift_right_arithmetic3A_259[%gather3A_288] in [0] : vector<16xi32>, vector<16xi32> -> vector<16xi32>
      %eq3A_290 = arith.cmpi eq, %gather3A_289, %shift_right_arithmetic3A_259 : vector<16xi32>
      %and3A_291 = arith.andi %eq3A_290, %le3A_104 : vector<16xi1>
      %add3A_292 = arith.constant 1 : i32
      %add3A_293 = vector.broadcast %add3A_292 : i32 to vector<16xi32>
      %add3A_294 = arith.addi %iota3A, %add3A_293 : vector<16xi32>
      %add3A_295 = arith.constant 1 : i32
      %add3A_296 = vector.broadcast %add3A_295 : i32 to vector<16xi32>
      %add3A_297 = arith.addi %add3A_294, %add3A_296 : vector<16xi32>
      %lt3A_298 = vector.broadcast %sub3A_251 : i32 to vector<16xi32>
      %lt3A_299 = arith.cmpi slt, %add3A_297, %lt3A_298 : vector<16xi32>
      %and3A_300 = arith.andi %and3A_291, %lt3A_299 : vector<16xi1>
      %or3A_301 = arith.ori %or3A, %and3A_300 : vector<16xi1>
      %lt3A_302 = arith.constant 0 : i32
      %lt3A_303 = vector.broadcast %lt3A_302 : i32 to vector<16xi32>
      %lt3A_304 = arith.cmpi slt, %min3A_21, %lt3A_303 : vector<16xi32>
      %add3A_305 = arith.constant 16 : i32
      %add3A_306 = vector.broadcast %add3A_305 : i32 to vector<16xi32>
      %add3A_307 = arith.addi %min3A_21, %add3A_306 : vector<16xi32>
      %select_n3A_308 = arith.select %lt3A_304, %add3A_307, %min3A_21 : vector<16xi1>, vector<16xi32>
      %broadcast_in_dim3A_309 = vector.shape_cast %select_n3A_308 : vector<16xi32> to vector<16x1xi32>
      %gather3A_310 = vector.shape_cast %broadcast_in_dim3A_309 : vector<16x1xi32> to vector<16xi32>
      %gather3A_311 = tpu.dynamic_gather %shift_right_arithmetic3A_259[%gather3A_310] in [0] : vector<16xi32>, vector<16xi32> -> vector<16xi32>
      %eq3A_312 = arith.cmpi eq, %gather3A_311, %shift_right_arithmetic3A_259 : vector<16xi32>
      %and3A_313 = arith.andi %eq3A_312, %le3A_110 : vector<16xi1>
      %add3A_314 = arith.constant 2 : i32
      %add3A_315 = vector.broadcast %add3A_314 : i32 to vector<16xi32>
      %add3A_316 = arith.addi %iota3A, %add3A_315 : vector<16xi32>
      %add3A_317 = arith.constant 1 : i32
      %add3A_318 = vector.broadcast %add3A_317 : i32 to vector<16xi32>
      %add3A_319 = arith.addi %add3A_316, %add3A_318 : vector<16xi32>
      %lt3A_320 = vector.broadcast %sub3A_251 : i32 to vector<16xi32>
      %lt3A_321 = arith.cmpi slt, %add3A_319, %lt3A_320 : vector<16xi32>
      %and3A_322 = arith.andi %and3A_313, %lt3A_321 : vector<16xi1>
      %or3A_323 = arith.ori %or3A_301, %and3A_322 : vector<16xi1>
      %lt3A_324 = arith.constant 0 : i32
      %lt3A_325 = vector.broadcast %lt3A_324 : i32 to vector<16xi32>
      %lt3A_326 = arith.cmpi slt, %min3A_27, %lt3A_325 : vector<16xi32>
      %add3A_327 = arith.constant 16 : i32
      %add3A_328 = vector.broadcast %add3A_327 : i32 to vector<16xi32>
      %add3A_329 = arith.addi %min3A_27, %add3A_328 : vector<16xi32>
      %select_n3A_330 = arith.select %lt3A_326, %add3A_329, %min3A_27 : vector<16xi1>, vector<16xi32>
      %broadcast_in_dim3A_331 = vector.shape_cast %select_n3A_330 : vector<16xi32> to vector<16x1xi32>
      %gather3A_332 = vector.shape_cast %broadcast_in_dim3A_331 : vector<16x1xi32> to vector<16xi32>
      %gather3A_333 = tpu.dynamic_gather %shift_right_arithmetic3A_259[%gather3A_332] in [0] : vector<16xi32>, vector<16xi32> -> vector<16xi32>
      %eq3A_334 = arith.cmpi eq, %gather3A_333, %shift_right_arithmetic3A_259 : vector<16xi32>
      %and3A_335 = arith.andi %eq3A_334, %le3A_116 : vector<16xi1>
      %add3A_336 = arith.constant 3 : i32
      %add3A_337 = vector.broadcast %add3A_336 : i32 to vector<16xi32>
      %add3A_338 = arith.addi %iota3A, %add3A_337 : vector<16xi32>
      %add3A_339 = arith.constant 1 : i32
      %add3A_340 = vector.broadcast %add3A_339 : i32 to vector<16xi32>
      %add3A_341 = arith.addi %add3A_338, %add3A_340 : vector<16xi32>
      %lt3A_342 = vector.broadcast %sub3A_251 : i32 to vector<16xi32>
      %lt3A_343 = arith.cmpi slt, %add3A_341, %lt3A_342 : vector<16xi32>
      %and3A_344 = arith.andi %and3A_335, %lt3A_343 : vector<16xi1>
      %or3A_345 = arith.ori %or3A_323, %and3A_344 : vector<16xi1>
      %lt3A_346 = arith.constant 0 : i32
      %lt3A_347 = vector.broadcast %lt3A_346 : i32 to vector<16xi32>
      %lt3A_348 = arith.cmpi slt, %min3A_33, %lt3A_347 : vector<16xi32>
      %add3A_349 = arith.constant 16 : i32
      %add3A_350 = vector.broadcast %add3A_349 : i32 to vector<16xi32>
      %add3A_351 = arith.addi %min3A_33, %add3A_350 : vector<16xi32>
      %select_n3A_352 = arith.select %lt3A_348, %add3A_351, %min3A_33 : vector<16xi1>, vector<16xi32>
      %broadcast_in_dim3A_353 = vector.shape_cast %select_n3A_352 : vector<16xi32> to vector<16x1xi32>
      %gather3A_354 = vector.shape_cast %broadcast_in_dim3A_353 : vector<16x1xi32> to vector<16xi32>
      %gather3A_355 = tpu.dynamic_gather %shift_right_arithmetic3A_259[%gather3A_354] in [0] : vector<16xi32>, vector<16xi32> -> vector<16xi32>
      %eq3A_356 = arith.cmpi eq, %gather3A_355, %shift_right_arithmetic3A_259 : vector<16xi32>
      %and3A_357 = arith.andi %eq3A_356, %le3A_122 : vector<16xi1>
      %add3A_358 = arith.constant 4 : i32
      %add3A_359 = vector.broadcast %add3A_358 : i32 to vector<16xi32>
      %add3A_360 = arith.addi %iota3A, %add3A_359 : vector<16xi32>
      %add3A_361 = arith.constant 1 : i32
      %add3A_362 = vector.broadcast %add3A_361 : i32 to vector<16xi32>
      %add3A_363 = arith.addi %add3A_360, %add3A_362 : vector<16xi32>
      %lt3A_364 = vector.broadcast %sub3A_251 : i32 to vector<16xi32>
      %lt3A_365 = arith.cmpi slt, %add3A_363, %lt3A_364 : vector<16xi32>
      %and3A_366 = arith.andi %and3A_357, %lt3A_365 : vector<16xi1>
      %or3A_367 = arith.ori %or3A_345, %and3A_366 : vector<16xi1>
      %lt3A_368 = arith.constant 0 : i32
      %lt3A_369 = vector.broadcast %lt3A_368 : i32 to vector<16xi32>
      %lt3A_370 = arith.cmpi slt, %min3A_39, %lt3A_369 : vector<16xi32>
      %add3A_371 = arith.constant 16 : i32
      %add3A_372 = vector.broadcast %add3A_371 : i32 to vector<16xi32>
      %add3A_373 = arith.addi %min3A_39, %add3A_372 : vector<16xi32>
      %select_n3A_374 = arith.select %lt3A_370, %add3A_373, %min3A_39 : vector<16xi1>, vector<16xi32>
      %broadcast_in_dim3A_375 = vector.shape_cast %select_n3A_374 : vector<16xi32> to vector<16x1xi32>
      %gather3A_376 = vector.shape_cast %broadcast_in_dim3A_375 : vector<16x1xi32> to vector<16xi32>
      %gather3A_377 = tpu.dynamic_gather %shift_right_arithmetic3A_259[%gather3A_376] in [0] : vector<16xi32>, vector<16xi32> -> vector<16xi32>
      %eq3A_378 = arith.cmpi eq, %gather3A_377, %shift_right_arithmetic3A_259 : vector<16xi32>
      %and3A_379 = arith.andi %eq3A_378, %le3A_128 : vector<16xi1>
      %add3A_380 = arith.constant 5 : i32
      %add3A_381 = vector.broadcast %add3A_380 : i32 to vector<16xi32>
      %add3A_382 = arith.addi %iota3A, %add3A_381 : vector<16xi32>
      %add3A_383 = arith.constant 1 : i32
      %add3A_384 = vector.broadcast %add3A_383 : i32 to vector<16xi32>
      %add3A_385 = arith.addi %add3A_382, %add3A_384 : vector<16xi32>
      %lt3A_386 = vector.broadcast %sub3A_251 : i32 to vector<16xi32>
      %lt3A_387 = arith.cmpi slt, %add3A_385, %lt3A_386 : vector<16xi32>
      %and3A_388 = arith.andi %and3A_379, %lt3A_387 : vector<16xi1>
      %or3A_389 = arith.ori %or3A_367, %and3A_388 : vector<16xi1>
      %lt3A_390 = arith.constant 0 : i32
      %lt3A_391 = vector.broadcast %lt3A_390 : i32 to vector<16xi32>
      %lt3A_392 = arith.cmpi slt, %min3A_45, %lt3A_391 : vector<16xi32>
      %add3A_393 = arith.constant 16 : i32
      %add3A_394 = vector.broadcast %add3A_393 : i32 to vector<16xi32>
      %add3A_395 = arith.addi %min3A_45, %add3A_394 : vector<16xi32>
      %select_n3A_396 = arith.select %lt3A_392, %add3A_395, %min3A_45 : vector<16xi1>, vector<16xi32>
      %broadcast_in_dim3A_397 = vector.shape_cast %select_n3A_396 : vector<16xi32> to vector<16x1xi32>
      %gather3A_398 = vector.shape_cast %broadcast_in_dim3A_397 : vector<16x1xi32> to vector<16xi32>
      %gather3A_399 = tpu.dynamic_gather %shift_right_arithmetic3A_259[%gather3A_398] in [0] : vector<16xi32>, vector<16xi32> -> vector<16xi32>
      %eq3A_400 = arith.cmpi eq, %gather3A_399, %shift_right_arithmetic3A_259 : vector<16xi32>
      %and3A_401 = arith.andi %eq3A_400, %le3A_134 : vector<16xi1>
      %add3A_402 = arith.constant 6 : i32
      %add3A_403 = vector.broadcast %add3A_402 : i32 to vector<16xi32>
      %add3A_404 = arith.addi %iota3A, %add3A_403 : vector<16xi32>
      %add3A_405 = arith.constant 1 : i32
      %add3A_406 = vector.broadcast %add3A_405 : i32 to vector<16xi32>
      %add3A_407 = arith.addi %add3A_404, %add3A_406 : vector<16xi32>
      %lt3A_408 = vector.broadcast %sub3A_251 : i32 to vector<16xi32>
      %lt3A_409 = arith.cmpi slt, %add3A_407, %lt3A_408 : vector<16xi32>
      %and3A_410 = arith.andi %and3A_401, %lt3A_409 : vector<16xi1>
      %or3A_411 = arith.ori %or3A_389, %and3A_410 : vector<16xi1>
      %lt3A_412 = arith.constant 0 : i32
      %lt3A_413 = vector.broadcast %lt3A_412 : i32 to vector<16xi32>
      %lt3A_414 = arith.cmpi slt, %min3A_51, %lt3A_413 : vector<16xi32>
      %add3A_415 = arith.constant 16 : i32
      %add3A_416 = vector.broadcast %add3A_415 : i32 to vector<16xi32>
      %add3A_417 = arith.addi %min3A_51, %add3A_416 : vector<16xi32>
      %select_n3A_418 = arith.select %lt3A_414, %add3A_417, %min3A_51 : vector<16xi1>, vector<16xi32>
      %broadcast_in_dim3A_419 = vector.shape_cast %select_n3A_418 : vector<16xi32> to vector<16x1xi32>
      %gather3A_420 = vector.shape_cast %broadcast_in_dim3A_419 : vector<16x1xi32> to vector<16xi32>
      %gather3A_421 = tpu.dynamic_gather %shift_right_arithmetic3A_259[%gather3A_420] in [0] : vector<16xi32>, vector<16xi32> -> vector<16xi32>
      %eq3A_422 = arith.cmpi eq, %gather3A_421, %shift_right_arithmetic3A_259 : vector<16xi32>
      %and3A_423 = arith.andi %eq3A_422, %le3A_140 : vector<16xi1>
      %add3A_424 = arith.constant 7 : i32
      %add3A_425 = vector.broadcast %add3A_424 : i32 to vector<16xi32>
      %add3A_426 = arith.addi %iota3A, %add3A_425 : vector<16xi32>
      %add3A_427 = arith.constant 1 : i32
      %add3A_428 = vector.broadcast %add3A_427 : i32 to vector<16xi32>
      %add3A_429 = arith.addi %add3A_426, %add3A_428 : vector<16xi32>
      %lt3A_430 = vector.broadcast %sub3A_251 : i32 to vector<16xi32>
      %lt3A_431 = arith.cmpi slt, %add3A_429, %lt3A_430 : vector<16xi32>
      %and3A_432 = arith.andi %and3A_423, %lt3A_431 : vector<16xi1>
      %or3A_433 = arith.ori %or3A_411, %and3A_432 : vector<16xi1>
      %lt3A_434 = arith.constant 0 : i32
      %lt3A_435 = vector.broadcast %lt3A_434 : i32 to vector<16xi32>
      %lt3A_436 = arith.cmpi slt, %min3A_57, %lt3A_435 : vector<16xi32>
      %add3A_437 = arith.constant 16 : i32
      %add3A_438 = vector.broadcast %add3A_437 : i32 to vector<16xi32>
      %add3A_439 = arith.addi %min3A_57, %add3A_438 : vector<16xi32>
      %select_n3A_440 = arith.select %lt3A_436, %add3A_439, %min3A_57 : vector<16xi1>, vector<16xi32>
      %broadcast_in_dim3A_441 = vector.shape_cast %select_n3A_440 : vector<16xi32> to vector<16x1xi32>
      %gather3A_442 = vector.shape_cast %broadcast_in_dim3A_441 : vector<16x1xi32> to vector<16xi32>
      %gather3A_443 = tpu.dynamic_gather %shift_right_arithmetic3A_259[%gather3A_442] in [0] : vector<16xi32>, vector<16xi32> -> vector<16xi32>
      %eq3A_444 = arith.cmpi eq, %gather3A_443, %shift_right_arithmetic3A_259 : vector<16xi32>
      %and3A_445 = arith.andi %eq3A_444, %le3A_146 : vector<16xi1>
      %add3A_446 = arith.constant 8 : i32
      %add3A_447 = vector.broadcast %add3A_446 : i32 to vector<16xi32>
      %add3A_448 = arith.addi %iota3A, %add3A_447 : vector<16xi32>
      %add3A_449 = arith.constant 1 : i32
      %add3A_450 = vector.broadcast %add3A_449 : i32 to vector<16xi32>
      %add3A_451 = arith.addi %add3A_448, %add3A_450 : vector<16xi32>
      %lt3A_452 = vector.broadcast %sub3A_251 : i32 to vector<16xi32>
      %lt3A_453 = arith.cmpi slt, %add3A_451, %lt3A_452 : vector<16xi32>
      %and3A_454 = arith.andi %and3A_445, %lt3A_453 : vector<16xi1>
      %or3A_455 = arith.ori %or3A_433, %and3A_454 : vector<16xi1>
      %lt3A_456 = arith.constant 0 : i32
      %lt3A_457 = vector.broadcast %lt3A_456 : i32 to vector<16xi32>
      %lt3A_458 = arith.cmpi slt, %min3A_63, %lt3A_457 : vector<16xi32>
      %add3A_459 = arith.constant 16 : i32
      %add3A_460 = vector.broadcast %add3A_459 : i32 to vector<16xi32>
      %add3A_461 = arith.addi %min3A_63, %add3A_460 : vector<16xi32>
      %select_n3A_462 = arith.select %lt3A_458, %add3A_461, %min3A_63 : vector<16xi1>, vector<16xi32>
      %broadcast_in_dim3A_463 = vector.shape_cast %select_n3A_462 : vector<16xi32> to vector<16x1xi32>
      %gather3A_464 = vector.shape_cast %broadcast_in_dim3A_463 : vector<16x1xi32> to vector<16xi32>
      %gather3A_465 = tpu.dynamic_gather %shift_right_arithmetic3A_259[%gather3A_464] in [0] : vector<16xi32>, vector<16xi32> -> vector<16xi32>
      %eq3A_466 = arith.cmpi eq, %gather3A_465, %shift_right_arithmetic3A_259 : vector<16xi32>
      %and3A_467 = arith.andi %eq3A_466, %le3A_152 : vector<16xi1>
      %add3A_468 = arith.constant 9 : i32
      %add3A_469 = vector.broadcast %add3A_468 : i32 to vector<16xi32>
      %add3A_470 = arith.addi %iota3A, %add3A_469 : vector<16xi32>
      %add3A_471 = arith.constant 1 : i32
      %add3A_472 = vector.broadcast %add3A_471 : i32 to vector<16xi32>
      %add3A_473 = arith.addi %add3A_470, %add3A_472 : vector<16xi32>
      %lt3A_474 = vector.broadcast %sub3A_251 : i32 to vector<16xi32>
      %lt3A_475 = arith.cmpi slt, %add3A_473, %lt3A_474 : vector<16xi32>
      %and3A_476 = arith.andi %and3A_467, %lt3A_475 : vector<16xi1>
      %or3A_477 = arith.ori %or3A_455, %and3A_476 : vector<16xi1>
      %lt3A_478 = arith.constant 0 : i32
      %lt3A_479 = vector.broadcast %lt3A_478 : i32 to vector<16xi32>
      %lt3A_480 = arith.cmpi slt, %min3A_69, %lt3A_479 : vector<16xi32>
      %add3A_481 = arith.constant 16 : i32
      %add3A_482 = vector.broadcast %add3A_481 : i32 to vector<16xi32>
      %add3A_483 = arith.addi %min3A_69, %add3A_482 : vector<16xi32>
      %select_n3A_484 = arith.select %lt3A_480, %add3A_483, %min3A_69 : vector<16xi1>, vector<16xi32>
      %broadcast_in_dim3A_485 = vector.shape_cast %select_n3A_484 : vector<16xi32> to vector<16x1xi32>
      %gather3A_486 = vector.shape_cast %broadcast_in_dim3A_485 : vector<16x1xi32> to vector<16xi32>
      %gather3A_487 = tpu.dynamic_gather %shift_right_arithmetic3A_259[%gather3A_486] in [0] : vector<16xi32>, vector<16xi32> -> vector<16xi32>
      %eq3A_488 = arith.cmpi eq, %gather3A_487, %shift_right_arithmetic3A_259 : vector<16xi32>
      %and3A_489 = arith.andi %eq3A_488, %le3A_158 : vector<16xi1>
      %add3A_490 = arith.constant 10 : i32
      %add3A_491 = vector.broadcast %add3A_490 : i32 to vector<16xi32>
      %add3A_492 = arith.addi %iota3A, %add3A_491 : vector<16xi32>
      %add3A_493 = arith.constant 1 : i32
      %add3A_494 = vector.broadcast %add3A_493 : i32 to vector<16xi32>
      %add3A_495 = arith.addi %add3A_492, %add3A_494 : vector<16xi32>
      %lt3A_496 = vector.broadcast %sub3A_251 : i32 to vector<16xi32>
      %lt3A_497 = arith.cmpi slt, %add3A_495, %lt3A_496 : vector<16xi32>
      %and3A_498 = arith.andi %and3A_489, %lt3A_497 : vector<16xi1>
      %or3A_499 = arith.ori %or3A_477, %and3A_498 : vector<16xi1>
      %lt3A_500 = arith.constant 0 : i32
      %lt3A_501 = vector.broadcast %lt3A_500 : i32 to vector<16xi32>
      %lt3A_502 = arith.cmpi slt, %min3A_75, %lt3A_501 : vector<16xi32>
      %add3A_503 = arith.constant 16 : i32
      %add3A_504 = vector.broadcast %add3A_503 : i32 to vector<16xi32>
      %add3A_505 = arith.addi %min3A_75, %add3A_504 : vector<16xi32>
      %select_n3A_506 = arith.select %lt3A_502, %add3A_505, %min3A_75 : vector<16xi1>, vector<16xi32>
      %broadcast_in_dim3A_507 = vector.shape_cast %select_n3A_506 : vector<16xi32> to vector<16x1xi32>
      %gather3A_508 = vector.shape_cast %broadcast_in_dim3A_507 : vector<16x1xi32> to vector<16xi32>
      %gather3A_509 = tpu.dynamic_gather %shift_right_arithmetic3A_259[%gather3A_508] in [0] : vector<16xi32>, vector<16xi32> -> vector<16xi32>
      %eq3A_510 = arith.cmpi eq, %gather3A_509, %shift_right_arithmetic3A_259 : vector<16xi32>
      %and3A_511 = arith.andi %eq3A_510, %le3A_164 : vector<16xi1>
      %add3A_512 = arith.constant 11 : i32
      %add3A_513 = vector.broadcast %add3A_512 : i32 to vector<16xi32>
      %add3A_514 = arith.addi %iota3A, %add3A_513 : vector<16xi32>
      %add3A_515 = arith.constant 1 : i32
      %add3A_516 = vector.broadcast %add3A_515 : i32 to vector<16xi32>
      %add3A_517 = arith.addi %add3A_514, %add3A_516 : vector<16xi32>
      %lt3A_518 = vector.broadcast %sub3A_251 : i32 to vector<16xi32>
      %lt3A_519 = arith.cmpi slt, %add3A_517, %lt3A_518 : vector<16xi32>
      %and3A_520 = arith.andi %and3A_511, %lt3A_519 : vector<16xi1>
      %or3A_521 = arith.ori %or3A_499, %and3A_520 : vector<16xi1>
      %lt3A_522 = arith.constant 0 : i32
      %lt3A_523 = vector.broadcast %lt3A_522 : i32 to vector<16xi32>
      %lt3A_524 = arith.cmpi slt, %min3A_81, %lt3A_523 : vector<16xi32>
      %add3A_525 = arith.constant 16 : i32
      %add3A_526 = vector.broadcast %add3A_525 : i32 to vector<16xi32>
      %add3A_527 = arith.addi %min3A_81, %add3A_526 : vector<16xi32>
      %select_n3A_528 = arith.select %lt3A_524, %add3A_527, %min3A_81 : vector<16xi1>, vector<16xi32>
      %broadcast_in_dim3A_529 = vector.shape_cast %select_n3A_528 : vector<16xi32> to vector<16x1xi32>
      %gather3A_530 = vector.shape_cast %broadcast_in_dim3A_529 : vector<16x1xi32> to vector<16xi32>
      %gather3A_531 = tpu.dynamic_gather %shift_right_arithmetic3A_259[%gather3A_530] in [0] : vector<16xi32>, vector<16xi32> -> vector<16xi32>
      %eq3A_532 = arith.cmpi eq, %gather3A_531, %shift_right_arithmetic3A_259 : vector<16xi32>
      %and3A_533 = arith.andi %eq3A_532, %le3A_170 : vector<16xi1>
      %add3A_534 = arith.constant 12 : i32
      %add3A_535 = vector.broadcast %add3A_534 : i32 to vector<16xi32>
      %add3A_536 = arith.addi %iota3A, %add3A_535 : vector<16xi32>
      %add3A_537 = arith.constant 1 : i32
      %add3A_538 = vector.broadcast %add3A_537 : i32 to vector<16xi32>
      %add3A_539 = arith.addi %add3A_536, %add3A_538 : vector<16xi32>
      %lt3A_540 = vector.broadcast %sub3A_251 : i32 to vector<16xi32>
      %lt3A_541 = arith.cmpi slt, %add3A_539, %lt3A_540 : vector<16xi32>
      %and3A_542 = arith.andi %and3A_533, %lt3A_541 : vector<16xi1>
      %or3A_543 = arith.ori %or3A_521, %and3A_542 : vector<16xi1>
      %lt3A_544 = arith.constant 0 : i32
      %lt3A_545 = vector.broadcast %lt3A_544 : i32 to vector<16xi32>
      %lt3A_546 = arith.cmpi slt, %min3A_87, %lt3A_545 : vector<16xi32>
      %add3A_547 = arith.constant 16 : i32
      %add3A_548 = vector.broadcast %add3A_547 : i32 to vector<16xi32>
      %add3A_549 = arith.addi %min3A_87, %add3A_548 : vector<16xi32>
      %select_n3A_550 = arith.select %lt3A_546, %add3A_549, %min3A_87 : vector<16xi1>, vector<16xi32>
      %broadcast_in_dim3A_551 = vector.shape_cast %select_n3A_550 : vector<16xi32> to vector<16x1xi32>
      %gather3A_552 = vector.shape_cast %broadcast_in_dim3A_551 : vector<16x1xi32> to vector<16xi32>
      %gather3A_553 = tpu.dynamic_gather %shift_right_arithmetic3A_259[%gather3A_552] in [0] : vector<16xi32>, vector<16xi32> -> vector<16xi32>
      %eq3A_554 = arith.cmpi eq, %gather3A_553, %shift_right_arithmetic3A_259 : vector<16xi32>
      %and3A_555 = arith.andi %eq3A_554, %le3A_176 : vector<16xi1>
      %add3A_556 = arith.constant 13 : i32
      %add3A_557 = vector.broadcast %add3A_556 : i32 to vector<16xi32>
      %add3A_558 = arith.addi %iota3A, %add3A_557 : vector<16xi32>
      %add3A_559 = arith.constant 1 : i32
      %add3A_560 = vector.broadcast %add3A_559 : i32 to vector<16xi32>
      %add3A_561 = arith.addi %add3A_558, %add3A_560 : vector<16xi32>
      %lt3A_562 = vector.broadcast %sub3A_251 : i32 to vector<16xi32>
      %lt3A_563 = arith.cmpi slt, %add3A_561, %lt3A_562 : vector<16xi32>
      %and3A_564 = arith.andi %and3A_555, %lt3A_563 : vector<16xi1>
      %or3A_565 = arith.ori %or3A_543, %and3A_564 : vector<16xi1>
      %lt3A_566 = arith.constant 0 : i32
      %lt3A_567 = vector.broadcast %lt3A_566 : i32 to vector<16xi32>
      %lt3A_568 = arith.cmpi slt, %min3A_93, %lt3A_567 : vector<16xi32>
      %add3A_569 = arith.constant 16 : i32
      %add3A_570 = vector.broadcast %add3A_569 : i32 to vector<16xi32>
      %add3A_571 = arith.addi %min3A_93, %add3A_570 : vector<16xi32>
      %select_n3A_572 = arith.select %lt3A_568, %add3A_571, %min3A_93 : vector<16xi1>, vector<16xi32>
      %broadcast_in_dim3A_573 = vector.shape_cast %select_n3A_572 : vector<16xi32> to vector<16x1xi32>
      %gather3A_574 = vector.shape_cast %broadcast_in_dim3A_573 : vector<16x1xi32> to vector<16xi32>
      %gather3A_575 = tpu.dynamic_gather %shift_right_arithmetic3A_259[%gather3A_574] in [0] : vector<16xi32>, vector<16xi32> -> vector<16xi32>
      %eq3A_576 = arith.cmpi eq, %gather3A_575, %shift_right_arithmetic3A_259 : vector<16xi32>
      %and3A_577 = arith.andi %eq3A_576, %le3A_182 : vector<16xi1>
      %add3A_578 = arith.constant 14 : i32
      %add3A_579 = vector.broadcast %add3A_578 : i32 to vector<16xi32>
      %add3A_580 = arith.addi %iota3A, %add3A_579 : vector<16xi32>
      %add3A_581 = arith.constant 1 : i32
      %add3A_582 = vector.broadcast %add3A_581 : i32 to vector<16xi32>
      %add3A_583 = arith.addi %add3A_580, %add3A_582 : vector<16xi32>
      %lt3A_584 = vector.broadcast %sub3A_251 : i32 to vector<16xi32>
      %lt3A_585 = arith.cmpi slt, %add3A_583, %lt3A_584 : vector<16xi32>
      %and3A_586 = arith.andi %and3A_577, %lt3A_585 : vector<16xi1>
      %or3A_587 = arith.ori %or3A_565, %and3A_586 : vector<16xi1>
      %not3A = arith.constant dense<true> : vector<16xi1>
      %not3A_588 = arith.xori %or3A_587, %not3A : vector<16xi1>
      %and3A_589 = arith.andi %not3A_588, %lt3A_252 : vector<16xi1>
      %and3A_590 = arith.constant 16383 : i32
      %and3A_591 = vector.broadcast %and3A_590 : i32 to vector<16xi32>
      %and3A_592 = arith.andi %select_n3A_257, %and3A_591 : vector<16xi32>
      tpu.vector_store_idx %arg7[%shift_right_arithmetic3A_259], %and3A_592 masked %and3A_589 : memref<62500xi32, #tpu.memory_space<vmem>>[vector<16xi32>], vector<16xi32>, vector<16xi1>
    }
    %mul3A = arith.constant 0 : i32
    %mul3A_210 = vector.broadcast %mul3A : i32 to vector<16xi32>
    %mul3A_211 = arith.muli %iota3A, %mul3A_210 : vector<16xi32>
    %add3A_212 = arith.constant 127 : i32
    %add3A_213 = arith.addi %scan3A_4, %add3A_212 : i32
    %jit3A_214 = arith.constant 128 : i32
    %div3A_215 = arith.divsi %add3A_213, %jit3A_214 : i32
    %sign3A_216 = arith.constant 0 : i32
    %sign3A_217 = arith.cmpi sgt, %add3A_213, %sign3A_216 : i32
    %sign3A_218 = arith.extui %sign3A_217 : i1 to i32
    %sign3A_219 = arith.constant 0 : i32
    %sign3A_220 = arith.cmpi slt, %add3A_213, %sign3A_219 : i32
    %sign3A_221 = arith.extui %sign3A_220 : i1 to i32
    %sign3A_222 = arith.subi %sign3A_218, %sign3A_221 : i32
    %sign3A_223 = arith.constant 0 : i32
    %sign3A_224 = arith.cmpi sgt, %jit3A_214, %sign3A_223 : i32
    %sign3A_225 = arith.extui %sign3A_224 : i1 to i32
    %sign3A_226 = arith.constant 0 : i32
    %sign3A_227 = arith.cmpi slt, %jit3A_214, %sign3A_226 : i32
    %sign3A_228 = arith.extui %sign3A_227 : i1 to i32
    %sign3A_229 = arith.subi %sign3A_225, %sign3A_228 : i32
    %ne3A_230 = arith.cmpi ne, %sign3A_222, %sign3A_229 : i32
    %rem3A_231 = arith.remsi %add3A_213, %jit3A_214 : i32
    %ne3A_232 = arith.constant 0 : i32
    %ne3A_233 = arith.cmpi ne, %rem3A_231, %ne3A_232 : i32
    %and3A_234 = arith.andi %ne3A_230, %ne3A_233 : i1
    %sub3A_235 = arith.constant 1 : i32
    %sub3A_236 = arith.subi %div3A_215, %sub3A_235 : i32
    %select_n3A_237 = arith.select %and3A_234, %sub3A_236, %div3A_215 : i32
    %while3A_238 = arith.constant 0 : i32
    %while3A_239 = arith.constant 0 : i32
    %while3A_240 = arith.subi %select_n3A_237, %while3A_239 : i32
    %while3A_241 = arith.addi %while3A_239, %while3A_240 : i32
    %while3A_242 = arith.constant 1 : i32
    %while3A_243 = arith.divsi %while3A_240, %while3A_242 : i32
    %while3A_244 = arith.muli %while3A_243, %while3A_242 : i32
    %while3A_245 = arith.addi %while3A_239, %while3A_244 : i32
    %while3A_246 = arith.constant 1 : i32
    scf.for %while3A_248 = %while3A_239 to %while3A_245 step %while3A_246  : i32 {
      %mul3A_249 = arith.constant 128 : i32
      %mul3A_250 = arith.muli %while3A_248, %mul3A_249 : i32
      %add3A_251 = arith.constant 0 : i32
      %add3A_252 = arith.addi %mul3A_250, %add3A_251 : i32
      %add3A_253 = vector.broadcast %add3A_252 : i32 to vector<16xi32>
      %add3A_254 = arith.addi %add3A_253, %iota3A : vector<16xi32>
      %lt3A = vector.broadcast %scan3A_4 : i32 to vector<16xi32>
      %lt3A_255 = arith.cmpi slt, %add3A_254, %lt3A : vector<16xi32>
      %get3A = arith.index_cast %add3A_252 : i32 to index
      %get3A_256 = tpu.vector_load %arg6[%get3A] {strides = array<i32>} : memref<16400xi32, #tpu.memory_space<vmem>>, vector<16xi32>,
      %jit3A_257 = arith.constant 0 : i32
      %broadcast_in_dim3A = vector.broadcast %jit3A_257 : i32 to vector<16xi32>
      %select_n3A_258 = arith.select %lt3A_255, %get3A_256, %broadcast_in_dim3A : vector<16xi1>, vector<16xi32>
      %shift_right_arithmetic3A = arith.constant 14 : i32
      %shift_right_arithmetic3A_259 = vector.broadcast %shift_right_arithmetic3A : i32 to vector<16xi32>
      %shift_right_arithmetic3A_260 = arith.shrsi %select_n3A_258, %shift_right_arithmetic3A_259 : vector<16xi32>
      %and3A_261 = arith.constant 16383 : i32
      %and3A_262 = vector.broadcast %and3A_261 : i32 to vector<16xi32>
      %and3A_263 = arith.andi %select_n3A_258, %and3A_262 : vector<16xi32>
      %gather3A = tpu.vector_load_idx %arg7[%shift_right_arithmetic3A_260] : memref<62500xi32, #tpu.memory_space<vmem>>[vector<16xi32>], vector<16xi32>,
      %lt3A_264 = arith.constant 0 : i32
      %lt3A_265 = vector.broadcast %lt3A_264 : i32 to vector<16xi32>
      %lt3A_266 = arith.cmpi slt, %mul3A_211, %lt3A_265 : vector<16xi32>
      %add3A_267 = arith.constant 16 : i32
      %add3A_268 = vector.broadcast %add3A_267 : i32 to vector<16xi32>
      %add3A_269 = arith.addi %mul3A_211, %add3A_268 : vector<16xi32>
      %select_n3A_270 = arith.select %lt3A_266, %add3A_269, %mul3A_211 : vector<16xi1>, vector<16xi32>
      %broadcast_in_dim3A_271 = vector.shape_cast %select_n3A_270 : vector<16xi32> to vector<16x1xi32>
      %gather3A_272 = vector.shape_cast %broadcast_in_dim3A_271 : vector<16x1xi32> to vector<16xi32>
      %gather3A_273 = tpu.dynamic_gather %gather3A[%gather3A_272] in [0] : vector<16xi32>, vector<16xi32> -> vector<16xi32>
      %lt3A_274 = arith.constant 0 : i32
      %lt3A_275 = vector.broadcast %lt3A_274 : i32 to vector<16xi32>
      %lt3A_276 = arith.cmpi slt, %mul3A_211, %lt3A_275 : vector<16xi32>
      %add3A_277 = arith.constant 16 : i32
      %add3A_278 = vector.broadcast %add3A_277 : i32 to vector<16xi32>
      %add3A_279 = arith.addi %mul3A_211, %add3A_278 : vector<16xi32>
      %select_n3A_280 = arith.select %lt3A_276, %add3A_279, %mul3A_211 : vector<16xi1>, vector<16xi32>
      %broadcast_in_dim3A_281 = vector.shape_cast %select_n3A_280 : vector<16xi32> to vector<16x1xi32>
      %gather3A_282 = vector.shape_cast %broadcast_in_dim3A_281 : vector<16x1xi32> to vector<16xi32>
      %gather3A_283 = tpu.dynamic_gather %and3A_263[%gather3A_282] in [0] : vector<16xi32>, vector<16xi32> -> vector<16xi32>
      %select_n3A_284 = arith.select %lt3A_255, %gather3A, %gather3A_273 : vector<16xi1>, vector<16xi32>
      %swap3A = arith.constant 0 : index
      %swap3A_285 = tpu.vector_load %arg8[%swap3A] {strides = array<i32>} : memref<128xi32, #tpu.memory_space<vmem>>, vector<16xi32>,
      tpu.vector_store %arg8[%swap3A], %select_n3A_284 {strides = array<i32>} : memref<128xi32, #tpu.memory_space<vmem>>, vector<16xi32>,
      %select_n3A_286 = arith.select %lt3A_255, %and3A_263, %gather3A_283 : vector<16xi1>, vector<16xi32>
      %swap3A_287 = arith.constant 0 : index
      %swap3A_288 = tpu.vector_load %arg9[%swap3A_287] {strides = array<i32>} : memref<128xi32, #tpu.memory_space<vmem>>, vector<16xi32>,
      tpu.vector_store %arg9[%swap3A_287], %select_n3A_286 {strides = array<i32>} : memref<128xi32, #tpu.memory_space<vmem>>, vector<16xi32>,
      %mul3A_289 = arith.constant 128 : i32
      %mul3A_290 = arith.muli %while3A_248, %mul3A_289 : i32
      %add3A_291 = arith.constant 16 : i32
      %add3A_292 = arith.addi %mul3A_290, %add3A_291 : i32
      %add3A_293 = vector.broadcast %add3A_292 : i32 to vector<16xi32>
      %add3A_294 = arith.addi %add3A_293, %iota3A : vector<16xi32>
      %lt3A_295 = vector.broadcast %scan3A_4 : i32 to vector<16xi32>
      %lt3A_296 = arith.cmpi slt, %add3A_294, %lt3A_295 : vector<16xi32>
      %get3A_297 = arith.index_cast %add3A_292 : i32 to index
      %get3A_298 = tpu.vector_load %arg6[%get3A_297] {strides = array<i32>} : memref<16400xi32, #tpu.memory_space<vmem>>, vector<16xi32>,
      %jit3A_299 = arith.constant 0 : i32
      %broadcast_in_dim3A_300 = vector.broadcast %jit3A_299 : i32 to vector<16xi32>
      %select_n3A_301 = arith.select %lt3A_296, %get3A_298, %broadcast_in_dim3A_300 : vector<16xi1>, vector<16xi32>
      %shift_right_arithmetic3A_302 = arith.constant 14 : i32
      %shift_right_arithmetic3A_303 = vector.broadcast %shift_right_arithmetic3A_302 : i32 to vector<16xi32>
      %shift_right_arithmetic3A_304 = arith.shrsi %select_n3A_301, %shift_right_arithmetic3A_303 : vector<16xi32>
      %and3A_305 = arith.constant 16383 : i32
      %and3A_306 = vector.broadcast %and3A_305 : i32 to vector<16xi32>
      %and3A_307 = arith.andi %select_n3A_301, %and3A_306 : vector<16xi32>
      %gather3A_308 = tpu.vector_load_idx %arg7[%shift_right_arithmetic3A_304] : memref<62500xi32, #tpu.memory_space<vmem>>[vector<16xi32>], vector<16xi32>,
      %select_n3A_309 = arith.select %lt3A_296, %gather3A_308, %gather3A_273 : vector<16xi1>, vector<16xi32>
      %swap3A_310 = arith.constant 16 : index
      %swap3A_311 = tpu.vector_load %arg8[%swap3A_310] {strides = array<i32>} : memref<128xi32, #tpu.memory_space<vmem>>, vector<16xi32>,
      tpu.vector_store %arg8[%swap3A_310], %select_n3A_309 {strides = array<i32>} : memref<128xi32, #tpu.memory_space<vmem>>, vector<16xi32>,
      %select_n3A_312 = arith.select %lt3A_296, %and3A_307, %gather3A_283 : vector<16xi1>, vector<16xi32>
      %swap3A_313 = arith.constant 16 : index
      %swap3A_314 = tpu.vector_load %arg9[%swap3A_313] {strides = array<i32>} : memref<128xi32, #tpu.memory_space<vmem>>, vector<16xi32>,
      tpu.vector_store %arg9[%swap3A_313], %select_n3A_312 {strides = array<i32>} : memref<128xi32, #tpu.memory_space<vmem>>, vector<16xi32>,
      %mul3A_315 = arith.constant 128 : i32
      %mul3A_316 = arith.muli %while3A_248, %mul3A_315 : i32
      %add3A_317 = arith.constant 32 : i32
      %add3A_318 = arith.addi %mul3A_316, %add3A_317 : i32
      %add3A_319 = vector.broadcast %add3A_318 : i32 to vector<16xi32>
      %add3A_320 = arith.addi %add3A_319, %iota3A : vector<16xi32>
      %lt3A_321 = vector.broadcast %scan3A_4 : i32 to vector<16xi32>
      %lt3A_322 = arith.cmpi slt, %add3A_320, %lt3A_321 : vector<16xi32>
      %get3A_323 = arith.index_cast %add3A_318 : i32 to index
      %get3A_324 = tpu.vector_load %arg6[%get3A_323] {strides = array<i32>} : memref<16400xi32, #tpu.memory_space<vmem>>, vector<16xi32>,
      %jit3A_325 = arith.constant 0 : i32
      %broadcast_in_dim3A_326 = vector.broadcast %jit3A_325 : i32 to vector<16xi32>
      %select_n3A_327 = arith.select %lt3A_322, %get3A_324, %broadcast_in_dim3A_326 : vector<16xi1>, vector<16xi32>
      %shift_right_arithmetic3A_328 = arith.constant 14 : i32
      %shift_right_arithmetic3A_329 = vector.broadcast %shift_right_arithmetic3A_328 : i32 to vector<16xi32>
      %shift_right_arithmetic3A_330 = arith.shrsi %select_n3A_327, %shift_right_arithmetic3A_329 : vector<16xi32>
      %and3A_331 = arith.constant 16383 : i32
      %and3A_332 = vector.broadcast %and3A_331 : i32 to vector<16xi32>
      %and3A_333 = arith.andi %select_n3A_327, %and3A_332 : vector<16xi32>
      %gather3A_334 = tpu.vector_load_idx %arg7[%shift_right_arithmetic3A_330] : memref<62500xi32, #tpu.memory_space<vmem>>[vector<16xi32>], vector<16xi32>,
      %select_n3A_335 = arith.select %lt3A_322, %gather3A_334, %gather3A_273 : vector<16xi1>, vector<16xi32>
      %swap3A_336 = arith.constant 32 : index
      %swap3A_337 = tpu.vector_load %arg8[%swap3A_336] {strides = array<i32>} : memref<128xi32, #tpu.memory_space<vmem>>, vector<16xi32>,
      tpu.vector_store %arg8[%swap3A_336], %select_n3A_335 {strides = array<i32>} : memref<128xi32, #tpu.memory_space<vmem>>, vector<16xi32>,
      %select_n3A_338 = arith.select %lt3A_322, %and3A_333, %gather3A_283 : vector<16xi1>, vector<16xi32>
      %swap3A_339 = arith.constant 32 : index
      %swap3A_340 = tpu.vector_load %arg9[%swap3A_339] {strides = array<i32>} : memref<128xi32, #tpu.memory_space<vmem>>, vector<16xi32>,
      tpu.vector_store %arg9[%swap3A_339], %select_n3A_338 {strides = array<i32>} : memref<128xi32, #tpu.memory_space<vmem>>, vector<16xi32>,
      %mul3A_341 = arith.constant 128 : i32
      %mul3A_342 = arith.muli %while3A_248, %mul3A_341 : i32
      %add3A_343 = arith.constant 48 : i32
      %add3A_344 = arith.addi %mul3A_342, %add3A_343 : i32
      %add3A_345 = vector.broadcast %add3A_344 : i32 to vector<16xi32>
      %add3A_346 = arith.addi %add3A_345, %iota3A : vector<16xi32>
      %lt3A_347 = vector.broadcast %scan3A_4 : i32 to vector<16xi32>
      %lt3A_348 = arith.cmpi slt, %add3A_346, %lt3A_347 : vector<16xi32>
      %get3A_349 = arith.index_cast %add3A_344 : i32 to index
      %get3A_350 = tpu.vector_load %arg6[%get3A_349] {strides = array<i32>} : memref<16400xi32, #tpu.memory_space<vmem>>, vector<16xi32>,
      %jit3A_351 = arith.constant 0 : i32
      %broadcast_in_dim3A_352 = vector.broadcast %jit3A_351 : i32 to vector<16xi32>
      %select_n3A_353 = arith.select %lt3A_348, %get3A_350, %broadcast_in_dim3A_352 : vector<16xi1>, vector<16xi32>
      %shift_right_arithmetic3A_354 = arith.constant 14 : i32
      %shift_right_arithmetic3A_355 = vector.broadcast %shift_right_arithmetic3A_354 : i32 to vector<16xi32>
      %shift_right_arithmetic3A_356 = arith.shrsi %select_n3A_353, %shift_right_arithmetic3A_355 : vector<16xi32>
      %and3A_357 = arith.constant 16383 : i32
      %and3A_358 = vector.broadcast %and3A_357 : i32 to vector<16xi32>
      %and3A_359 = arith.andi %select_n3A_353, %and3A_358 : vector<16xi32>
      %gather3A_360 = tpu.vector_load_idx %arg7[%shift_right_arithmetic3A_356] : memref<62500xi32, #tpu.memory_space<vmem>>[vector<16xi32>], vector<16xi32>,
      %select_n3A_361 = arith.select %lt3A_348, %gather3A_360, %gather3A_273 : vector<16xi1>, vector<16xi32>
      %swap3A_362 = arith.constant 48 : index
      %swap3A_363 = tpu.vector_load %arg8[%swap3A_362] {strides = array<i32>} : memref<128xi32, #tpu.memory_space<vmem>>, vector<16xi32>,
      tpu.vector_store %arg8[%swap3A_362], %select_n3A_361 {strides = array<i32>} : memref<128xi32, #tpu.memory_space<vmem>>, vector<16xi32>,
      %select_n3A_364 = arith.select %lt3A_348, %and3A_359, %gather3A_283 : vector<16xi1>, vector<16xi32>
      %swap3A_365 = arith.constant 48 : index
      %swap3A_366 = tpu.vector_load %arg9[%swap3A_365] {strides = array<i32>} : memref<128xi32, #tpu.memory_space<vmem>>, vector<16xi32>,
      tpu.vector_store %arg9[%swap3A_365], %select_n3A_364 {strides = array<i32>} : memref<128xi32, #tpu.memory_space<vmem>>, vector<16xi32>,
      %mul3A_367 = arith.constant 128 : i32
      %mul3A_368 = arith.muli %while3A_248, %mul3A_367 : i32
      %add3A_369 = arith.constant 64 : i32
      %add3A_370 = arith.addi %mul3A_368, %add3A_369 : i32
      %add3A_371 = vector.broadcast %add3A_370 : i32 to vector<16xi32>
      %add3A_372 = arith.addi %add3A_371, %iota3A : vector<16xi32>
      %lt3A_373 = vector.broadcast %scan3A_4 : i32 to vector<16xi32>
      %lt3A_374 = arith.cmpi slt, %add3A_372, %lt3A_373 : vector<16xi32>
      %get3A_375 = arith.index_cast %add3A_370 : i32 to index
      %get3A_376 = tpu.vector_load %arg6[%get3A_375] {strides = array<i32>} : memref<16400xi32, #tpu.memory_space<vmem>>, vector<16xi32>,
      %jit3A_377 = arith.constant 0 : i32
      %broadcast_in_dim3A_378 = vector.broadcast %jit3A_377 : i32 to vector<16xi32>
      %select_n3A_379 = arith.select %lt3A_374, %get3A_376, %broadcast_in_dim3A_378 : vector<16xi1>, vector<16xi32>
      %shift_right_arithmetic3A_380 = arith.constant 14 : i32
      %shift_right_arithmetic3A_381 = vector.broadcast %shift_right_arithmetic3A_380 : i32 to vector<16xi32>
      %shift_right_arithmetic3A_382 = arith.shrsi %select_n3A_379, %shift_right_arithmetic3A_381 : vector<16xi32>
      %and3A_383 = arith.constant 16383 : i32
      %and3A_384 = vector.broadcast %and3A_383 : i32 to vector<16xi32>
      %and3A_385 = arith.andi %select_n3A_379, %and3A_384 : vector<16xi32>
      %gather3A_386 = tpu.vector_load_idx %arg7[%shift_right_arithmetic3A_382] : memref<62500xi32, #tpu.memory_space<vmem>>[vector<16xi32>], vector<16xi32>,
      %select_n3A_387 = arith.select %lt3A_374, %gather3A_386, %gather3A_273 : vector<16xi1>, vector<16xi32>
      %swap3A_388 = arith.constant 64 : index
      %swap3A_389 = tpu.vector_load %arg8[%swap3A_388] {strides = array<i32>} : memref<128xi32, #tpu.memory_space<vmem>>, vector<16xi32>,
      tpu.vector_store %arg8[%swap3A_388], %select_n3A_387 {strides = array<i32>} : memref<128xi32, #tpu.memory_space<vmem>>, vector<16xi32>,
      %select_n3A_390 = arith.select %lt3A_374, %and3A_385, %gather3A_283 : vector<16xi1>, vector<16xi32>
      %swap3A_391 = arith.constant 64 : index
      %swap3A_392 = tpu.vector_load %arg9[%swap3A_391] {strides = array<i32>} : memref<128xi32, #tpu.memory_space<vmem>>, vector<16xi32>,
      tpu.vector_store %arg9[%swap3A_391], %select_n3A_390 {strides = array<i32>} : memref<128xi32, #tpu.memory_space<vmem>>, vector<16xi32>,
      %mul3A_393 = arith.constant 128 : i32
      %mul3A_394 = arith.muli %while3A_248, %mul3A_393 : i32
      %add3A_395 = arith.constant 80 : i32
      %add3A_396 = arith.addi %mul3A_394, %add3A_395 : i32
      %add3A_397 = vector.broadcast %add3A_396 : i32 to vector<16xi32>
      %add3A_398 = arith.addi %add3A_397, %iota3A : vector<16xi32>
      %lt3A_399 = vector.broadcast %scan3A_4 : i32 to vector<16xi32>
      %lt3A_400 = arith.cmpi slt, %add3A_398, %lt3A_399 : vector<16xi32>
      %get3A_401 = arith.index_cast %add3A_396 : i32 to index
      %get3A_402 = tpu.vector_load %arg6[%get3A_401] {strides = array<i32>} : memref<16400xi32, #tpu.memory_space<vmem>>, vector<16xi32>,
      %jit3A_403 = arith.constant 0 : i32
      %broadcast_in_dim3A_404 = vector.broadcast %jit3A_403 : i32 to vector<16xi32>
      %select_n3A_405 = arith.select %lt3A_400, %get3A_402, %broadcast_in_dim3A_404 : vector<16xi1>, vector<16xi32>
      %shift_right_arithmetic3A_406 = arith.constant 14 : i32
      %shift_right_arithmetic3A_407 = vector.broadcast %shift_right_arithmetic3A_406 : i32 to vector<16xi32>
      %shift_right_arithmetic3A_408 = arith.shrsi %select_n3A_405, %shift_right_arithmetic3A_407 : vector<16xi32>
      %and3A_409 = arith.constant 16383 : i32
      %and3A_410 = vector.broadcast %and3A_409 : i32 to vector<16xi32>
      %and3A_411 = arith.andi %select_n3A_405, %and3A_410 : vector<16xi32>
      %gather3A_412 = tpu.vector_load_idx %arg7[%shift_right_arithmetic3A_408] : memref<62500xi32, #tpu.memory_space<vmem>>[vector<16xi32>], vector<16xi32>,
      %select_n3A_413 = arith.select %lt3A_400, %gather3A_412, %gather3A_273 : vector<16xi1>, vector<16xi32>
      %swap3A_414 = arith.constant 80 : index
      %swap3A_415 = tpu.vector_load %arg8[%swap3A_414] {strides = array<i32>} : memref<128xi32, #tpu.memory_space<vmem>>, vector<16xi32>,
      tpu.vector_store %arg8[%swap3A_414], %select_n3A_413 {strides = array<i32>} : memref<128xi32, #tpu.memory_space<vmem>>, vector<16xi32>,
      %select_n3A_416 = arith.select %lt3A_400, %and3A_411, %gather3A_283 : vector<16xi1>, vector<16xi32>
      %swap3A_417 = arith.constant 80 : index
      %swap3A_418 = tpu.vector_load %arg9[%swap3A_417] {strides = array<i32>} : memref<128xi32, #tpu.memory_space<vmem>>, vector<16xi32>,
      tpu.vector_store %arg9[%swap3A_417], %select_n3A_416 {strides = array<i32>} : memref<128xi32, #tpu.memory_space<vmem>>, vector<16xi32>,
      %mul3A_419 = arith.constant 128 : i32
      %mul3A_420 = arith.muli %while3A_248, %mul3A_419 : i32
      %add3A_421 = arith.constant 96 : i32
      %add3A_422 = arith.addi %mul3A_420, %add3A_421 : i32
      %add3A_423 = vector.broadcast %add3A_422 : i32 to vector<16xi32>
      %add3A_424 = arith.addi %add3A_423, %iota3A : vector<16xi32>
      %lt3A_425 = vector.broadcast %scan3A_4 : i32 to vector<16xi32>
      %lt3A_426 = arith.cmpi slt, %add3A_424, %lt3A_425 : vector<16xi32>
      %get3A_427 = arith.index_cast %add3A_422 : i32 to index
      %get3A_428 = tpu.vector_load %arg6[%get3A_427] {strides = array<i32>} : memref<16400xi32, #tpu.memory_space<vmem>>, vector<16xi32>,
      %jit3A_429 = arith.constant 0 : i32
      %broadcast_in_dim3A_430 = vector.broadcast %jit3A_429 : i32 to vector<16xi32>
      %select_n3A_431 = arith.select %lt3A_426, %get3A_428, %broadcast_in_dim3A_430 : vector<16xi1>, vector<16xi32>
      %shift_right_arithmetic3A_432 = arith.constant 14 : i32
      %shift_right_arithmetic3A_433 = vector.broadcast %shift_right_arithmetic3A_432 : i32 to vector<16xi32>
      %shift_right_arithmetic3A_434 = arith.shrsi %select_n3A_431, %shift_right_arithmetic3A_433 : vector<16xi32>
      %and3A_435 = arith.constant 16383 : i32
      %and3A_436 = vector.broadcast %and3A_435 : i32 to vector<16xi32>
      %and3A_437 = arith.andi %select_n3A_431, %and3A_436 : vector<16xi32>
      %gather3A_438 = tpu.vector_load_idx %arg7[%shift_right_arithmetic3A_434] : memref<62500xi32, #tpu.memory_space<vmem>>[vector<16xi32>], vector<16xi32>,
      %select_n3A_439 = arith.select %lt3A_426, %gather3A_438, %gather3A_273 : vector<16xi1>, vector<16xi32>
      %swap3A_440 = arith.constant 96 : index
      %swap3A_441 = tpu.vector_load %arg8[%swap3A_440] {strides = array<i32>} : memref<128xi32, #tpu.memory_space<vmem>>, vector<16xi32>,
      tpu.vector_store %arg8[%swap3A_440], %select_n3A_439 {strides = array<i32>} : memref<128xi32, #tpu.memory_space<vmem>>, vector<16xi32>,
      %select_n3A_442 = arith.select %lt3A_426, %and3A_437, %gather3A_283 : vector<16xi1>, vector<16xi32>
      %swap3A_443 = arith.constant 96 : index
      %swap3A_444 = tpu.vector_load %arg9[%swap3A_443] {strides = array<i32>} : memref<128xi32, #tpu.memory_space<vmem>>, vector<16xi32>,
      tpu.vector_store %arg9[%swap3A_443], %select_n3A_442 {strides = array<i32>} : memref<128xi32, #tpu.memory_space<vmem>>, vector<16xi32>,
      %mul3A_445 = arith.constant 128 : i32
      %mul3A_446 = arith.muli %while3A_248, %mul3A_445 : i32
      %add3A_447 = arith.constant 112 : i32
      %add3A_448 = arith.addi %mul3A_446, %add3A_447 : i32
      %add3A_449 = vector.broadcast %add3A_448 : i32 to vector<16xi32>
      %add3A_450 = arith.addi %add3A_449, %iota3A : vector<16xi32>
      %lt3A_451 = vector.broadcast %scan3A_4 : i32 to vector<16xi32>
      %lt3A_452 = arith.cmpi slt, %add3A_450, %lt3A_451 : vector<16xi32>
      %get3A_453 = arith.index_cast %add3A_448 : i32 to index
      %get3A_454 = tpu.vector_load %arg6[%get3A_453] {strides = array<i32>} : memref<16400xi32, #tpu.memory_space<vmem>>, vector<16xi32>,
      %jit3A_455 = arith.constant 0 : i32
      %broadcast_in_dim3A_456 = vector.broadcast %jit3A_455 : i32 to vector<16xi32>
      %select_n3A_457 = arith.select %lt3A_452, %get3A_454, %broadcast_in_dim3A_456 : vector<16xi1>, vector<16xi32>
      %shift_right_arithmetic3A_458 = arith.constant 14 : i32
      %shift_right_arithmetic3A_459 = vector.broadcast %shift_right_arithmetic3A_458 : i32 to vector<16xi32>
      %shift_right_arithmetic3A_460 = arith.shrsi %select_n3A_457, %shift_right_arithmetic3A_459 : vector<16xi32>
      %and3A_461 = arith.constant 16383 : i32
      %and3A_462 = vector.broadcast %and3A_461 : i32 to vector<16xi32>
      %and3A_463 = arith.andi %select_n3A_457, %and3A_462 : vector<16xi32>
      %gather3A_464 = tpu.vector_load_idx %arg7[%shift_right_arithmetic3A_460] : memref<62500xi32, #tpu.memory_space<vmem>>[vector<16xi32>], vector<16xi32>,
      %select_n3A_465 = arith.select %lt3A_452, %gather3A_464, %gather3A_273 : vector<16xi1>, vector<16xi32>
      %swap3A_466 = arith.constant 112 : index
      %swap3A_467 = tpu.vector_load %arg8[%swap3A_466] {strides = array<i32>} : memref<128xi32, #tpu.memory_space<vmem>>, vector<16xi32>,
      tpu.vector_store %arg8[%swap3A_466], %select_n3A_465 {strides = array<i32>} : memref<128xi32, #tpu.memory_space<vmem>>, vector<16xi32>,
      %select_n3A_468 = arith.select %lt3A_452, %and3A_463, %gather3A_283 : vector<16xi1>, vector<16xi32>
      %swap3A_469 = arith.constant 112 : index
      %swap3A_470 = tpu.vector_load %arg9[%swap3A_469] {strides = array<i32>} : memref<128xi32, #tpu.memory_space<vmem>>, vector<16xi32>,
      tpu.vector_store %arg9[%swap3A_469], %select_n3A_468 {strides = array<i32>} : memref<128xi32, #tpu.memory_space<vmem>>, vector<16xi32>,
      %dma_start3A = arith.constant 0 : i32
      %dma_start3A_471 = arith.constant 0 : i32
      %dma_start3A_472 = tpu.memref_slice %arg3[%dma_start3A, %dma_start3A_471] : memref<16384x64xf32, #tpu.memory_space<hbm>> -> memref<16384x64xf32, #tpu.memory_space<hbm>>
      tpu.enqueue_indirect_dma source(%dma_start3A_472 : memref<16384x64xf32, #tpu.memory_space<hbm>>) target(%arg10 : memref<128x64xf32, #tpu.memory_space<vmem>>) offsets(%arg8 : memref<128xi32, #tpu.memory_space<vmem>>) semaphore(%arg11 : memref<!tpu.dma_semaphore, #tpu.memory_space<semaphore_mem>>)
      %dma_wait3A = arith.constant 0 : i32
      %dma_wait3A_473 = arith.constant 0 : i32
      %dma_wait3A_474 = tpu.memref_slice %arg3[%dma_wait3A, %dma_wait3A_473] : memref<16384x64xf32, #tpu.memory_space<hbm>> -> memref<16384x64xf32, #tpu.memory_space<hbm>>
      tpu.wait_indirect_dma semaphore(%arg11 : memref<!tpu.dma_semaphore, #tpu.memory_space<semaphore_mem>>) src(%dma_wait3A_474 : memref<16384x64xf32, #tpu.memory_space<hbm>>) dst(%arg10 : memref<128x64xf32, #tpu.memory_space<vmem>>)
      %dma_start3A_475 = arith.constant 0 : i32
      %dma_start3A_476 = arith.constant 0 : i32
      %dma_start3A_477 = tpu.memref_slice %arg4[%dma_start3A_475, %dma_start3A_476] : memref<16384x64xf32, #tpu.memory_space<hbm>> -> memref<16384x64xf32, #tpu.memory_space<hbm>>
      tpu.enqueue_indirect_dma source(%arg10 : memref<128x64xf32, #tpu.memory_space<vmem>>) target(%dma_start3A_477 : memref<16384x64xf32, #tpu.memory_space<hbm>>) offsets(%arg9 : memref<128xi32, #tpu.memory_space<vmem>>) semaphore(%arg11 : memref<!tpu.dma_semaphore, #tpu.memory_space<semaphore_mem>>)
      %dma_wait3A_478 = arith.constant 0 : i32
      %dma_wait3A_479 = arith.constant 0 : i32
      %dma_wait3A_480 = tpu.memref_slice %arg4[%dma_wait3A_478, %dma_wait3A_479] : memref<16384x64xf32, #tpu.memory_space<hbm>> -> memref<16384x64xf32, #tpu.memory_space<hbm>>
      tpu.wait_indirect_dma semaphore(%arg11 : memref<!tpu.dma_semaphore, #tpu.memory_space<semaphore_mem>>) src(%arg10 : memref<128x64xf32, #tpu.memory_space<vmem>>) dst(%dma_wait3A_480 : memref<16384x64xf32, #tpu.memory_space<hbm>>)
    }
    %while3A_247 = arith.constant 1 : i32
    scf.for %while3A_248 = %while3A_245 to %while3A_241 step %while3A_247  : i32 {
      %mul3A_249 = arith.constant 128 : i32
      %mul3A_250 = arith.muli %while3A_248, %mul3A_249 : i32
      %add3A_251 = arith.constant 0 : i32
      %add3A_252 = arith.addi %mul3A_250, %add3A_251 : i32
      %add3A_253 = vector.broadcast %add3A_252 : i32 to vector<16xi32>
      %add3A_254 = arith.addi %add3A_253, %iota3A : vector<16xi32>
      %lt3A = vector.broadcast %scan3A_4 : i32 to vector<16xi32>
      %lt3A_255 = arith.cmpi slt, %add3A_254, %lt3A : vector<16xi32>
      %get3A = arith.index_cast %add3A_252 : i32 to index
      %get3A_256 = tpu.vector_load %arg6[%get3A] {strides = array<i32>} : memref<16400xi32, #tpu.memory_space<vmem>>, vector<16xi32>,
      %jit3A_257 = arith.constant 0 : i32
      %broadcast_in_dim3A = vector.broadcast %jit3A_257 : i32 to vector<16xi32>
      %select_n3A_258 = arith.select %lt3A_255, %get3A_256, %broadcast_in_dim3A : vector<16xi1>, vector<16xi32>
      %shift_right_arithmetic3A = arith.constant 14 : i32
      %shift_right_arithmetic3A_259 = vector.broadcast %shift_right_arithmetic3A : i32 to vector<16xi32>
      %shift_right_arithmetic3A_260 = arith.shrsi %select_n3A_258, %shift_right_arithmetic3A_259 : vector<16xi32>
      %and3A_261 = arith.constant 16383 : i32
      %and3A_262 = vector.broadcast %and3A_261 : i32 to vector<16xi32>
      %and3A_263 = arith.andi %select_n3A_258, %and3A_262 : vector<16xi32>
      %gather3A = tpu.vector_load_idx %arg7[%shift_right_arithmetic3A_260] : memref<62500xi32, #tpu.memory_space<vmem>>[vector<16xi32>], vector<16xi32>,
      %lt3A_264 = arith.constant 0 : i32
      %lt3A_265 = vector.broadcast %lt3A_264 : i32 to vector<16xi32>
      %lt3A_266 = arith.cmpi slt, %mul3A_211, %lt3A_265 : vector<16xi32>
      %add3A_267 = arith.constant 16 : i32
      %add3A_268 = vector.broadcast %add3A_267 : i32 to vector<16xi32>
      %add3A_269 = arith.addi %mul3A_211, %add3A_268 : vector<16xi32>
      %select_n3A_270 = arith.select %lt3A_266, %add3A_269, %mul3A_211 : vector<16xi1>, vector<16xi32>
      %broadcast_in_dim3A_271 = vector.shape_cast %select_n3A_270 : vector<16xi32> to vector<16x1xi32>
      %gather3A_272 = vector.shape_cast %broadcast_in_dim3A_271 : vector<16x1xi32> to vector<16xi32>
      %gather3A_273 = tpu.dynamic_gather %gather3A[%gather3A_272] in [0] : vector<16xi32>, vector<16xi32> -> vector<16xi32>
      %lt3A_274 = arith.constant 0 : i32
      %lt3A_275 = vector.broadcast %lt3A_274 : i32 to vector<16xi32>
      %lt3A_276 = arith.cmpi slt, %mul3A_211, %lt3A_275 : vector<16xi32>
      %add3A_277 = arith.constant 16 : i32
      %add3A_278 = vector.broadcast %add3A_277 : i32 to vector<16xi32>
      %add3A_279 = arith.addi %mul3A_211, %add3A_278 : vector<16xi32>
      %select_n3A_280 = arith.select %lt3A_276, %add3A_279, %mul3A_211 : vector<16xi1>, vector<16xi32>
      %broadcast_in_dim3A_281 = vector.shape_cast %select_n3A_280 : vector<16xi32> to vector<16x1xi32>
      %gather3A_282 = vector.shape_cast %broadcast_in_dim3A_281 : vector<16x1xi32> to vector<16xi32>
      %gather3A_283 = tpu.dynamic_gather %and3A_263[%gather3A_282] in [0] : vector<16xi32>, vector<16xi32> -> vector<16xi32>
      %select_n3A_284 = arith.select %lt3A_255, %gather3A, %gather3A_273 : vector<16xi1>, vector<16xi32>
      %swap3A = arith.constant 0 : index
      %swap3A_285 = tpu.vector_load %arg8[%swap3A] {strides = array<i32>} : memref<128xi32, #tpu.memory_space<vmem>>, vector<16xi32>,
      tpu.vector_store %arg8[%swap3A], %select_n3A_284 {strides = array<i32>} : memref<128xi32, #tpu.memory_space<vmem>>, vector<16xi32>,
      %select_n3A_286 = arith.select %lt3A_255, %and3A_263, %gather3A_283 : vector<16xi1>, vector<16xi32>
      %swap3A_287 = arith.constant 0 : index
      %swap3A_288 = tpu.vector_load %arg9[%swap3A_287] {strides = array<i32>} : memref<128xi32, #tpu.memory_space<vmem>>, vector<16xi32>,
      tpu.vector_store %arg9[%swap3A_287], %select_n3A_286 {strides = array<i32>} : memref<128xi32, #tpu.memory_space<vmem>>, vector<16xi32>,
      %mul3A_289 = arith.constant 128 : i32
      %mul3A_290 = arith.muli %while3A_248, %mul3A_289 : i32
      %add3A_291 = arith.constant 16 : i32
      %add3A_292 = arith.addi %mul3A_290, %add3A_291 : i32
      %add3A_293 = vector.broadcast %add3A_292 : i32 to vector<16xi32>
      %add3A_294 = arith.addi %add3A_293, %iota3A : vector<16xi32>
      %lt3A_295 = vector.broadcast %scan3A_4 : i32 to vector<16xi32>
      %lt3A_296 = arith.cmpi slt, %add3A_294, %lt3A_295 : vector<16xi32>
      %get3A_297 = arith.index_cast %add3A_292 : i32 to index
      %get3A_298 = tpu.vector_load %arg6[%get3A_297] {strides = array<i32>} : memref<16400xi32, #tpu.memory_space<vmem>>, vector<16xi32>,
      %jit3A_299 = arith.constant 0 : i32
      %broadcast_in_dim3A_300 = vector.broadcast %jit3A_299 : i32 to vector<16xi32>
      %select_n3A_301 = arith.select %lt3A_296, %get3A_298, %broadcast_in_dim3A_300 : vector<16xi1>, vector<16xi32>
      %shift_right_arithmetic3A_302 = arith.constant 14 : i32
      %shift_right_arithmetic3A_303 = vector.broadcast %shift_right_arithmetic3A_302 : i32 to vector<16xi32>
      %shift_right_arithmetic3A_304 = arith.shrsi %select_n3A_301, %shift_right_arithmetic3A_303 : vector<16xi32>
      %and3A_305 = arith.constant 16383 : i32
      %and3A_306 = vector.broadcast %and3A_305 : i32 to vector<16xi32>
      %and3A_307 = arith.andi %select_n3A_301, %and3A_306 : vector<16xi32>
      %gather3A_308 = tpu.vector_load_idx %arg7[%shift_right_arithmetic3A_304] : memref<62500xi32, #tpu.memory_space<vmem>>[vector<16xi32>], vector<16xi32>,
      %select_n3A_309 = arith.select %lt3A_296, %gather3A_308, %gather3A_273 : vector<16xi1>, vector<16xi32>
      %swap3A_310 = arith.constant 16 : index
      %swap3A_311 = tpu.vector_load %arg8[%swap3A_310] {strides = array<i32>} : memref<128xi32, #tpu.memory_space<vmem>>, vector<16xi32>,
      tpu.vector_store %arg8[%swap3A_310], %select_n3A_309 {strides = array<i32>} : memref<128xi32, #tpu.memory_space<vmem>>, vector<16xi32>,
      %select_n3A_312 = arith.select %lt3A_296, %and3A_307, %gather3A_283 : vector<16xi1>, vector<16xi32>
      %swap3A_313 = arith.constant 16 : index
      %swap3A_314 = tpu.vector_load %arg9[%swap3A_313] {strides = array<i32>} : memref<128xi32, #tpu.memory_space<vmem>>, vector<16xi32>,
      tpu.vector_store %arg9[%swap3A_313], %select_n3A_312 {strides = array<i32>} : memref<128xi32, #tpu.memory_space<vmem>>, vector<16xi32>,
      %mul3A_315 = arith.constant 128 : i32
      %mul3A_316 = arith.muli %while3A_248, %mul3A_315 : i32
      %add3A_317 = arith.constant 32 : i32
      %add3A_318 = arith.addi %mul3A_316, %add3A_317 : i32
      %add3A_319 = vector.broadcast %add3A_318 : i32 to vector<16xi32>
      %add3A_320 = arith.addi %add3A_319, %iota3A : vector<16xi32>
      %lt3A_321 = vector.broadcast %scan3A_4 : i32 to vector<16xi32>
      %lt3A_322 = arith.cmpi slt, %add3A_320, %lt3A_321 : vector<16xi32>
      %get3A_323 = arith.index_cast %add3A_318 : i32 to index
      %get3A_324 = tpu.vector_load %arg6[%get3A_323] {strides = array<i32>} : memref<16400xi32, #tpu.memory_space<vmem>>, vector<16xi32>,
      %jit3A_325 = arith.constant 0 : i32
      %broadcast_in_dim3A_326 = vector.broadcast %jit3A_325 : i32 to vector<16xi32>
      %select_n3A_327 = arith.select %lt3A_322, %get3A_324, %broadcast_in_dim3A_326 : vector<16xi1>, vector<16xi32>
      %shift_right_arithmetic3A_328 = arith.constant 14 : i32
      %shift_right_arithmetic3A_329 = vector.broadcast %shift_right_arithmetic3A_328 : i32 to vector<16xi32>
      %shift_right_arithmetic3A_330 = arith.shrsi %select_n3A_327, %shift_right_arithmetic3A_329 : vector<16xi32>
      %and3A_331 = arith.constant 16383 : i32
      %and3A_332 = vector.broadcast %and3A_331 : i32 to vector<16xi32>
      %and3A_333 = arith.andi %select_n3A_327, %and3A_332 : vector<16xi32>
      %gather3A_334 = tpu.vector_load_idx %arg7[%shift_right_arithmetic3A_330] : memref<62500xi32, #tpu.memory_space<vmem>>[vector<16xi32>], vector<16xi32>,
      %select_n3A_335 = arith.select %lt3A_322, %gather3A_334, %gather3A_273 : vector<16xi1>, vector<16xi32>
      %swap3A_336 = arith.constant 32 : index
      %swap3A_337 = tpu.vector_load %arg8[%swap3A_336] {strides = array<i32>} : memref<128xi32, #tpu.memory_space<vmem>>, vector<16xi32>,
      tpu.vector_store %arg8[%swap3A_336], %select_n3A_335 {strides = array<i32>} : memref<128xi32, #tpu.memory_space<vmem>>, vector<16xi32>,
      %select_n3A_338 = arith.select %lt3A_322, %and3A_333, %gather3A_283 : vector<16xi1>, vector<16xi32>
      %swap3A_339 = arith.constant 32 : index
      %swap3A_340 = tpu.vector_load %arg9[%swap3A_339] {strides = array<i32>} : memref<128xi32, #tpu.memory_space<vmem>>, vector<16xi32>,
      tpu.vector_store %arg9[%swap3A_339], %select_n3A_338 {strides = array<i32>} : memref<128xi32, #tpu.memory_space<vmem>>, vector<16xi32>,
      %mul3A_341 = arith.constant 128 : i32
      %mul3A_342 = arith.muli %while3A_248, %mul3A_341 : i32
      %add3A_343 = arith.constant 48 : i32
      %add3A_344 = arith.addi %mul3A_342, %add3A_343 : i32
      %add3A_345 = vector.broadcast %add3A_344 : i32 to vector<16xi32>
      %add3A_346 = arith.addi %add3A_345, %iota3A : vector<16xi32>
      %lt3A_347 = vector.broadcast %scan3A_4 : i32 to vector<16xi32>
      %lt3A_348 = arith.cmpi slt, %add3A_346, %lt3A_347 : vector<16xi32>
      %get3A_349 = arith.index_cast %add3A_344 : i32 to index
      %get3A_350 = tpu.vector_load %arg6[%get3A_349] {strides = array<i32>} : memref<16400xi32, #tpu.memory_space<vmem>>, vector<16xi32>,
      %jit3A_351 = arith.constant 0 : i32
      %broadcast_in_dim3A_352 = vector.broadcast %jit3A_351 : i32 to vector<16xi32>
      %select_n3A_353 = arith.select %lt3A_348, %get3A_350, %broadcast_in_dim3A_352 : vector<16xi1>, vector<16xi32>
      %shift_right_arithmetic3A_354 = arith.constant 14 : i32
      %shift_right_arithmetic3A_355 = vector.broadcast %shift_right_arithmetic3A_354 : i32 to vector<16xi32>
      %shift_right_arithmetic3A_356 = arith.shrsi %select_n3A_353, %shift_right_arithmetic3A_355 : vector<16xi32>
      %and3A_357 = arith.constant 16383 : i32
      %and3A_358 = vector.broadcast %and3A_357 : i32 to vector<16xi32>
      %and3A_359 = arith.andi %select_n3A_353, %and3A_358 : vector<16xi32>
      %gather3A_360 = tpu.vector_load_idx %arg7[%shift_right_arithmetic3A_356] : memref<62500xi32, #tpu.memory_space<vmem>>[vector<16xi32>], vector<16xi32>,
      %select_n3A_361 = arith.select %lt3A_348, %gather3A_360, %gather3A_273 : vector<16xi1>, vector<16xi32>
      %swap3A_362 = arith.constant 48 : index
      %swap3A_363 = tpu.vector_load %arg8[%swap3A_362] {strides = array<i32>} : memref<128xi32, #tpu.memory_space<vmem>>, vector<16xi32>,
      tpu.vector_store %arg8[%swap3A_362], %select_n3A_361 {strides = array<i32>} : memref<128xi32, #tpu.memory_space<vmem>>, vector<16xi32>,
      %select_n3A_364 = arith.select %lt3A_348, %and3A_359, %gather3A_283 : vector<16xi1>, vector<16xi32>
      %swap3A_365 = arith.constant 48 : index
      %swap3A_366 = tpu.vector_load %arg9[%swap3A_365] {strides = array<i32>} : memref<128xi32, #tpu.memory_space<vmem>>, vector<16xi32>,
      tpu.vector_store %arg9[%swap3A_365], %select_n3A_364 {strides = array<i32>} : memref<128xi32, #tpu.memory_space<vmem>>, vector<16xi32>,
      %mul3A_367 = arith.constant 128 : i32
      %mul3A_368 = arith.muli %while3A_248, %mul3A_367 : i32
      %add3A_369 = arith.constant 64 : i32
      %add3A_370 = arith.addi %mul3A_368, %add3A_369 : i32
      %add3A_371 = vector.broadcast %add3A_370 : i32 to vector<16xi32>
      %add3A_372 = arith.addi %add3A_371, %iota3A : vector<16xi32>
      %lt3A_373 = vector.broadcast %scan3A_4 : i32 to vector<16xi32>
      %lt3A_374 = arith.cmpi slt, %add3A_372, %lt3A_373 : vector<16xi32>
      %get3A_375 = arith.index_cast %add3A_370 : i32 to index
      %get3A_376 = tpu.vector_load %arg6[%get3A_375] {strides = array<i32>} : memref<16400xi32, #tpu.memory_space<vmem>>, vector<16xi32>,
      %jit3A_377 = arith.constant 0 : i32
      %broadcast_in_dim3A_378 = vector.broadcast %jit3A_377 : i32 to vector<16xi32>
      %select_n3A_379 = arith.select %lt3A_374, %get3A_376, %broadcast_in_dim3A_378 : vector<16xi1>, vector<16xi32>
      %shift_right_arithmetic3A_380 = arith.constant 14 : i32
      %shift_right_arithmetic3A_381 = vector.broadcast %shift_right_arithmetic3A_380 : i32 to vector<16xi32>
      %shift_right_arithmetic3A_382 = arith.shrsi %select_n3A_379, %shift_right_arithmetic3A_381 : vector<16xi32>
      %and3A_383 = arith.constant 16383 : i32
      %and3A_384 = vector.broadcast %and3A_383 : i32 to vector<16xi32>
      %and3A_385 = arith.andi %select_n3A_379, %and3A_384 : vector<16xi32>
      %gather3A_386 = tpu.vector_load_idx %arg7[%shift_right_arithmetic3A_382] : memref<62500xi32, #tpu.memory_space<vmem>>[vector<16xi32>], vector<16xi32>,
      %select_n3A_387 = arith.select %lt3A_374, %gather3A_386, %gather3A_273 : vector<16xi1>, vector<16xi32>
      %swap3A_388 = arith.constant 64 : index
      %swap3A_389 = tpu.vector_load %arg8[%swap3A_388] {strides = array<i32>} : memref<128xi32, #tpu.memory_space<vmem>>, vector<16xi32>,
      tpu.vector_store %arg8[%swap3A_388], %select_n3A_387 {strides = array<i32>} : memref<128xi32, #tpu.memory_space<vmem>>, vector<16xi32>,
      %select_n3A_390 = arith.select %lt3A_374, %and3A_385, %gather3A_283 : vector<16xi1>, vector<16xi32>
      %swap3A_391 = arith.constant 64 : index
      %swap3A_392 = tpu.vector_load %arg9[%swap3A_391] {strides = array<i32>} : memref<128xi32, #tpu.memory_space<vmem>>, vector<16xi32>,
      tpu.vector_store %arg9[%swap3A_391], %select_n3A_390 {strides = array<i32>} : memref<128xi32, #tpu.memory_space<vmem>>, vector<16xi32>,
      %mul3A_393 = arith.constant 128 : i32
      %mul3A_394 = arith.muli %while3A_248, %mul3A_393 : i32
      %add3A_395 = arith.constant 80 : i32
      %add3A_396 = arith.addi %mul3A_394, %add3A_395 : i32
      %add3A_397 = vector.broadcast %add3A_396 : i32 to vector<16xi32>
      %add3A_398 = arith.addi %add3A_397, %iota3A : vector<16xi32>
      %lt3A_399 = vector.broadcast %scan3A_4 : i32 to vector<16xi32>
      %lt3A_400 = arith.cmpi slt, %add3A_398, %lt3A_399 : vector<16xi32>
      %get3A_401 = arith.index_cast %add3A_396 : i32 to index
      %get3A_402 = tpu.vector_load %arg6[%get3A_401] {strides = array<i32>} : memref<16400xi32, #tpu.memory_space<vmem>>, vector<16xi32>,
      %jit3A_403 = arith.constant 0 : i32
      %broadcast_in_dim3A_404 = vector.broadcast %jit3A_403 : i32 to vector<16xi32>
      %select_n3A_405 = arith.select %lt3A_400, %get3A_402, %broadcast_in_dim3A_404 : vector<16xi1>, vector<16xi32>
      %shift_right_arithmetic3A_406 = arith.constant 14 : i32
      %shift_right_arithmetic3A_407 = vector.broadcast %shift_right_arithmetic3A_406 : i32 to vector<16xi32>
      %shift_right_arithmetic3A_408 = arith.shrsi %select_n3A_405, %shift_right_arithmetic3A_407 : vector<16xi32>
      %and3A_409 = arith.constant 16383 : i32
      %and3A_410 = vector.broadcast %and3A_409 : i32 to vector<16xi32>
      %and3A_411 = arith.andi %select_n3A_405, %and3A_410 : vector<16xi32>
      %gather3A_412 = tpu.vector_load_idx %arg7[%shift_right_arithmetic3A_408] : memref<62500xi32, #tpu.memory_space<vmem>>[vector<16xi32>], vector<16xi32>,
      %select_n3A_413 = arith.select %lt3A_400, %gather3A_412, %gather3A_273 : vector<16xi1>, vector<16xi32>
      %swap3A_414 = arith.constant 80 : index
      %swap3A_415 = tpu.vector_load %arg8[%swap3A_414] {strides = array<i32>} : memref<128xi32, #tpu.memory_space<vmem>>, vector<16xi32>,
      tpu.vector_store %arg8[%swap3A_414], %select_n3A_413 {strides = array<i32>} : memref<128xi32, #tpu.memory_space<vmem>>, vector<16xi32>,
      %select_n3A_416 = arith.select %lt3A_400, %and3A_411, %gather3A_283 : vector<16xi1>, vector<16xi32>
      %swap3A_417 = arith.constant 80 : index
      %swap3A_418 = tpu.vector_load %arg9[%swap3A_417] {strides = array<i32>} : memref<128xi32, #tpu.memory_space<vmem>>, vector<16xi32>,
      tpu.vector_store %arg9[%swap3A_417], %select_n3A_416 {strides = array<i32>} : memref<128xi32, #tpu.memory_space<vmem>>, vector<16xi32>,
      %mul3A_419 = arith.constant 128 : i32
      %mul3A_420 = arith.muli %while3A_248, %mul3A_419 : i32
      %add3A_421 = arith.constant 96 : i32
      %add3A_422 = arith.addi %mul3A_420, %add3A_421 : i32
      %add3A_423 = vector.broadcast %add3A_422 : i32 to vector<16xi32>
      %add3A_424 = arith.addi %add3A_423, %iota3A : vector<16xi32>
      %lt3A_425 = vector.broadcast %scan3A_4 : i32 to vector<16xi32>
      %lt3A_426 = arith.cmpi slt, %add3A_424, %lt3A_425 : vector<16xi32>
      %get3A_427 = arith.index_cast %add3A_422 : i32 to index
      %get3A_428 = tpu.vector_load %arg6[%get3A_427] {strides = array<i32>} : memref<16400xi32, #tpu.memory_space<vmem>>, vector<16xi32>,
      %jit3A_429 = arith.constant 0 : i32
      %broadcast_in_dim3A_430 = vector.broadcast %jit3A_429 : i32 to vector<16xi32>
      %select_n3A_431 = arith.select %lt3A_426, %get3A_428, %broadcast_in_dim3A_430 : vector<16xi1>, vector<16xi32>
      %shift_right_arithmetic3A_432 = arith.constant 14 : i32
      %shift_right_arithmetic3A_433 = vector.broadcast %shift_right_arithmetic3A_432 : i32 to vector<16xi32>
      %shift_right_arithmetic3A_434 = arith.shrsi %select_n3A_431, %shift_right_arithmetic3A_433 : vector<16xi32>
      %and3A_435 = arith.constant 16383 : i32
      %and3A_436 = vector.broadcast %and3A_435 : i32 to vector<16xi32>
      %and3A_437 = arith.andi %select_n3A_431, %and3A_436 : vector<16xi32>
      %gather3A_438 = tpu.vector_load_idx %arg7[%shift_right_arithmetic3A_434] : memref<62500xi32, #tpu.memory_space<vmem>>[vector<16xi32>], vector<16xi32>,
      %select_n3A_439 = arith.select %lt3A_426, %gather3A_438, %gather3A_273 : vector<16xi1>, vector<16xi32>
      %swap3A_440 = arith.constant 96 : index
      %swap3A_441 = tpu.vector_load %arg8[%swap3A_440] {strides = array<i32>} : memref<128xi32, #tpu.memory_space<vmem>>, vector<16xi32>,
      tpu.vector_store %arg8[%swap3A_440], %select_n3A_439 {strides = array<i32>} : memref<128xi32, #tpu.memory_space<vmem>>, vector<16xi32>,
      %select_n3A_442 = arith.select %lt3A_426, %and3A_437, %gather3A_283 : vector<16xi1>, vector<16xi32>
      %swap3A_443 = arith.constant 96 : index
      %swap3A_444 = tpu.vector_load %arg9[%swap3A_443] {strides = array<i32>} : memref<128xi32, #tpu.memory_space<vmem>>, vector<16xi32>,
      tpu.vector_store %arg9[%swap3A_443], %select_n3A_442 {strides = array<i32>} : memref<128xi32, #tpu.memory_space<vmem>>, vector<16xi32>,
      %mul3A_445 = arith.constant 128 : i32
      %mul3A_446 = arith.muli %while3A_248, %mul3A_445 : i32
      %add3A_447 = arith.constant 112 : i32
      %add3A_448 = arith.addi %mul3A_446, %add3A_447 : i32
      %add3A_449 = vector.broadcast %add3A_448 : i32 to vector<16xi32>
      %add3A_450 = arith.addi %add3A_449, %iota3A : vector<16xi32>
      %lt3A_451 = vector.broadcast %scan3A_4 : i32 to vector<16xi32>
      %lt3A_452 = arith.cmpi slt, %add3A_450, %lt3A_451 : vector<16xi32>
      %get3A_453 = arith.index_cast %add3A_448 : i32 to index
      %get3A_454 = tpu.vector_load %arg6[%get3A_453] {strides = array<i32>} : memref<16400xi32, #tpu.memory_space<vmem>>, vector<16xi32>,
      %jit3A_455 = arith.constant 0 : i32
      %broadcast_in_dim3A_456 = vector.broadcast %jit3A_455 : i32 to vector<16xi32>
      %select_n3A_457 = arith.select %lt3A_452, %get3A_454, %broadcast_in_dim3A_456 : vector<16xi1>, vector<16xi32>
      %shift_right_arithmetic3A_458 = arith.constant 14 : i32
      %shift_right_arithmetic3A_459 = vector.broadcast %shift_right_arithmetic3A_458 : i32 to vector<16xi32>
      %shift_right_arithmetic3A_460 = arith.shrsi %select_n3A_457, %shift_right_arithmetic3A_459 : vector<16xi32>
      %and3A_461 = arith.constant 16383 : i32
      %and3A_462 = vector.broadcast %and3A_461 : i32 to vector<16xi32>
      %and3A_463 = arith.andi %select_n3A_457, %and3A_462 : vector<16xi32>
      %gather3A_464 = tpu.vector_load_idx %arg7[%shift_right_arithmetic3A_460] : memref<62500xi32, #tpu.memory_space<vmem>>[vector<16xi32>], vector<16xi32>,
      %select_n3A_465 = arith.select %lt3A_452, %gather3A_464, %gather3A_273 : vector<16xi1>, vector<16xi32>
      %swap3A_466 = arith.constant 112 : index
      %swap3A_467 = tpu.vector_load %arg8[%swap3A_466] {strides = array<i32>} : memref<128xi32, #tpu.memory_space<vmem>>, vector<16xi32>,
      tpu.vector_store %arg8[%swap3A_466], %select_n3A_465 {strides = array<i32>} : memref<128xi32, #tpu.memory_space<vmem>>, vector<16xi32>,
      %select_n3A_468 = arith.select %lt3A_452, %and3A_463, %gather3A_283 : vector<16xi1>, vector<16xi32>
      %swap3A_469 = arith.constant 112 : index
      %swap3A_470 = tpu.vector_load %arg9[%swap3A_469] {strides = array<i32>} : memref<128xi32, #tpu.memory_space<vmem>>, vector<16xi32>,
      tpu.vector_store %arg9[%swap3A_469], %select_n3A_468 {strides = array<i32>} : memref<128xi32, #tpu.memory_space<vmem>>, vector<16xi32>,
      %dma_start3A = arith.constant 0 : i32
      %dma_start3A_471 = arith.constant 0 : i32
      %dma_start3A_472 = tpu.memref_slice %arg3[%dma_start3A, %dma_start3A_471] : memref<16384x64xf32, #tpu.memory_space<hbm>> -> memref<16384x64xf32, #tpu.memory_space<hbm>>
      tpu.enqueue_indirect_dma source(%dma_start3A_472 : memref<16384x64xf32, #tpu.memory_space<hbm>>) target(%arg10 : memref<128x64xf32, #tpu.memory_space<vmem>>) offsets(%arg8 : memref<128xi32, #tpu.memory_space<vmem>>) semaphore(%arg11 : memref<!tpu.dma_semaphore, #tpu.memory_space<semaphore_mem>>)
      %dma_wait3A = arith.constant 0 : i32
      %dma_wait3A_473 = arith.constant 0 : i32
      %dma_wait3A_474 = tpu.memref_slice %arg3[%dma_wait3A, %dma_wait3A_473] : memref<16384x64xf32, #tpu.memory_space<hbm>> -> memref<16384x64xf32, #tpu.memory_space<hbm>>
      tpu.wait_indirect_dma semaphore(%arg11 : memref<!tpu.dma_semaphore, #tpu.memory_space<semaphore_mem>>) src(%dma_wait3A_474 : memref<16384x64xf32, #tpu.memory_space<hbm>>) dst(%arg10 : memref<128x64xf32, #tpu.memory_space<vmem>>)
      %dma_start3A_475 = arith.constant 0 : i32
      %dma_start3A_476 = arith.constant 0 : i32
      %dma_start3A_477 = tpu.memref_slice %arg4[%dma_start3A_475, %dma_start3A_476] : memref<16384x64xf32, #tpu.memory_space<hbm>> -> memref<16384x64xf32, #tpu.memory_space<hbm>>
      tpu.enqueue_indirect_dma source(%arg10 : memref<128x64xf32, #tpu.memory_space<vmem>>) target(%dma_start3A_477 : memref<16384x64xf32, #tpu.memory_space<hbm>>) offsets(%arg9 : memref<128xi32, #tpu.memory_space<vmem>>) semaphore(%arg11 : memref<!tpu.dma_semaphore, #tpu.memory_space<semaphore_mem>>)
      %dma_wait3A_478 = arith.constant 0 : i32
      %dma_wait3A_479 = arith.constant 0 : i32
      %dma_wait3A_480 = tpu.memref_slice %arg4[%dma_wait3A_478, %dma_wait3A_479] : memref<16384x64xf32, #tpu.memory_space<hbm>> -> memref<16384x64xf32, #tpu.memory_space<hbm>>
      tpu.wait_indirect_dma semaphore(%arg11 : memref<!tpu.dma_semaphore, #tpu.memory_space<semaphore_mem>>) src(%arg10 : memref<128x64xf32, #tpu.memory_space<vmem>>) dst(%dma_wait3A_480 : memref<16384x64xf32, #tpu.memory_space<hbm>>)
    }
    return
  }
}

</mosaic_0001>

<sc_bundles>
// kernel: kernel.3.cloned.1.call-start
scs
__scs_entry_jumppad:
0x0: {  	(pc) =	sbr.rel $0x88, $3  }
0x1: {  	(tag) =	ssettag $0x0;
	lr =	simm.s32 $0x1  }
0x2: {  	[smem:$0x3F9F] =	sst lr;
	_ =	strace $0xD0000000  }
0x3: {  	_ = 	snop  }
0x4: {  	_ = 	snop  }
0x5: {  	_ = 	snop  }
0x6: {  	_ = 	snop  }
0x7: {  	_ = 	snop  }
__scs_overlays_trampoline_lowered:
0x8: {  	[smem:$0x3FAE] =	sst s0  }
0x9: {  	[smem:$0x3FAF] =	sst s1  }
0xa: {  	[smem:$0x3FB0] =	sst s2  }
0xb: {  	[smem:$0x3FB1] =	sst s3  }
0xc: {  	[smem:$0x3FB2] =	sst s4  }
0xd: {  	[smem:$0x3FB3] =	sst s5  }
0xe: {  	[smem:$0x3FB4] =	sst s6  }
0xf: {  	[smem:$0x3FB5] =	sst s7  }
0x10: {  	[smem:$0x3FB6] =	sst s8  }
0x11: {  	[smem:$0x3FB7] =	sst s9;
	s0 =	simm.s32 @!p0 $0x0  }
0x12: {  	s1 =	sld [smem:$0x3F9D];
	s0 =	simm.s32 @p0 $0x1  }
0x13: {  	[smem:$0x3FB8] =	sst s0;
	s0 =	simm.s32 @!p1 $0x0  }
0x14: {  	s2 =	sld [smem:$0x3F9C];
	s0 =	simm.s32 @p1 $0x1  }
0x15: {  	[smem:$0x3FB9] =	sst s0;
	s0 =	simm.s32 @!p2 $0x0  }
0x16: {  	s3 =	sld [smem:$0x3FDB];
	s0 =	simm.s32 @p2 $0x1  }
0x17: {  	s4 =	simm.s32 $0x1BF5;
	[smem:$0x3FBB] =	sst s0  }
0x18: {  	s0 =	sld [smem:$0x3F9E];
	_ =	swait.ge [sflag:s4], $0x0  }
0x19: {  	s7 =	sld [smem:$0x3F9F]  }
0x1a: {  	s8 =	sadd.s32 $0xFFFFE003, lr  }
0x1b: {  	s9 =	sadd.s32 $0xFFFFFEF7, lr;
	s5 =	simm.s32 $0xFFFFFFFF;
	p2 =	slt.u32 s8, $0xFFFFF086  }
0x1c: {  	p1 =	slt.u32 s9, $0xF7A;
	s5 =	simm.s32 @!p2 $0x0  }
0x1d: {  	s5 =	simm.s32 @p1 $0x1;
	p0 =	seq.s32 s7, s2  }
0x1e: {  	s7 =	smul.u32 @!p0 $0xF7A, s2;
	p2 =	seq.s32 @!p0 s5, $0x0  }
0x1f: {  	s9 =	smul.u32 $0xF7A, s1;
	s8 =	simm.s32 @!p0 $0x1BF5;
	p2 =	por !p2, p0  }
0x20: {  	[sflag:s8] =	ssyncset.s32 @!p0 $0xFFFFF086;
	s6 =	sadd.s32 @!p0 s3, s7;
	s7 =	simm.s32 @!p0 $0x108  }
0x21: {  	s3 =	sadd.s32 s3, s9;
	s6 =	sadd.s32 @!p0 $0x88, s6;
	s7 =	simm.s32 @p2 $0x1082  }
0x22: {  	[simem:s7], [sflag:s8] =	dma.local @!p0 [hbm:s6], $0xF7A  }
0x23: {  	s9 =	sor.u32 $0xD0000000, s2;
	s6 =	simm.s32 $0x108;
	_ =	swait.ge @!p0 [sflag:s8], $0x0  }
0x24: {  	s3 =	sadd.s32 $0x88, s3;
	s6 =	simm.s32 @!p1 $0x1082;
	[sflag:s4] =	ssyncset.s32 $0xFFFFF086  }
0x25: {  	[simem:s6], [sflag:s4] =	dma.local [hbm:s3], $0xF7A  }
0x26: {  	[smem:$0x3F9F] =	sst s1;
	(tag) =	ssettag s2;
	_ =	strace s9  }
0x27: {  	s1 =	sld [smem:$0x3FAF]  }
0x28: {  	s2 =	sld [smem:$0x3FB0]  }
0x29: {  	s4 =	sld [smem:$0x3FB2]  }
0x2a: {  	p0 =	seq.s32 s5, $0x0;
	s5 =	sld [smem:$0x3FB3]  }
0x2b: {  	s6 =	sld [smem:$0x3FB4]  }
0x2c: {  	s7 =	sld [smem:$0x3FB5]  }
0x2d: {  	s3 =	simm.s32 $0x108;
	s8 =	sld [smem:$0x3FB6]  }
0x2e: {  	s3 =	simm.s32 @!p0 $0x1082;
	s9 =	sld [smem:$0x3FB7]  }
0x2f: {  	lr =	sadd.s32 s0, s3;
	s0 =	sld [smem:$0x3FAE]  }
0x30: {  	s3 =	sld [smem:$0x3FB1]  }
0x31: {  	[smem:$0x3FBA] =	sst s10  }
0x32: {  	s10 =	sld [smem:$0x3FB8];
	_ =	sdelay $0x3  }
0x33: {  	p0 =	seq.s32 s10, $0x1;
	s10 =	sld [smem:$0x3FBA];
	_ =	sdelay $0x3  }
0x34: {  	[smem:$0x3FBA] =	sst s10  }
0x35: {  	s10 =	sld [smem:$0x3FB9];
	_ =	sdelay $0x3  }
0x36: {  	p1 =	seq.s32 s10, $0x1;
	s10 =	sld [smem:$0x3FBA];
	_ =	sdelay $0x3  }
0x37: {  	[smem:$0x3FBA] =	sst s10  }
0x38: {  	s10 =	sld [smem:$0x3FBB]  }
0x39: {  	_ = 	snop;
	(pc) =	sbr.ind lr, $3  }
0x3a: {  	_ = 	snop  }
0x3b: {  	_ = 	snop  }
0x3c: {  	p2 =	seq.s32 s10, $0x1;
	s10 =	sld [smem:$0x3FBA]  }
0x3d: {  	_ =	shalt  }
0x3e: {  	_ =	shalt  }
0x3f: {  	_ =	shalt  }
0x40: {  	_ =	shalt  }
0x41: {  	_ =	shalt  }
0x42: {  	_ =	shalt  }
0x43: {  	_ =	shalt  }
0x44: {  	_ =	shalt  }
0x45: {  	_ =	shalt  }
0x46: {  	_ =	shalt  }
0x47: {  	_ =	shalt  }
0x48: {  	_ =	shalt  }
0x49: {  	_ =	shalt  }
0x4a: {  	_ =	shalt  }
0x4b: {  	_ =	shalt  }
0x4c: {  	_ =	shalt  }
0x4d: {  	_ =	shalt  }
0x4e: {  	_ =	shalt  }
0x4f: {  	_ =	shalt  }
0x50: {  	_ =	shalt  }
0x51: {  	_ =	shalt  }
0x52: {  	_ =	shalt  }
0x53: {  	_ =	shalt  }
0x54: {  	_ =	shalt  }
0x55: {  	_ =	shalt  }
0x56: {  	_ =	shalt  }
0x57: {  	_ =	shalt  }
0x58: {  	_ =	shalt  }
0x59: {  	_ =	shalt  }
0x5a: {  	_ =	shalt  }
0x5b: {  	_ =	shalt  }
0x5c: {  	_ =	shalt  }
0x5d: {  	_ =	shalt  }
0x5e: {  	_ =	shalt  }
0x5f: {  	_ =	shalt  }
0x60: {  	_ =	shalt  }
0x61: {  	_ =	shalt  }
0x62: {  	_ =	shalt  }
0x63: {  	_ =	shalt  }
0x64: {  	_ =	shalt  }
0x65: {  	_ =	shalt  }
0x66: {  	_ =	shalt  }
0x67: {  	_ =	shalt  }
0x68: {  	_ =	shalt  }
0x69: {  	_ =	shalt  }
0x6a: {  	_ =	shalt  }
0x6b: {  	_ =	shalt  }
0x6c: {  	_ =	shalt  }
0x6d: {  	_ =	shalt  }
0x6e: {  	_ =	shalt  }
0x6f: {  	_ =	shalt  }
0x70: {  	_ =	shalt  }
0x71: {  	_ =	shalt  }
0x72: {  	_ =	shalt  }
0x73: {  	_ =	shalt  }
0x74: {  	_ =	shalt  }
0x75: {  	_ =	shalt  }
0x76: {  	_ =	shalt  }
0x77: {  	_ =	shalt  }
0x78: {  	_ =	shalt  }
0x79: {  	_ =	shalt  }
0x7a: {  	_ =	shalt  }
0x7b: {  	_ =	shalt  }
0x7c: {  	_ =	shalt  }
0x7d: {  	_ =	shalt  }
0x7e: {  	_ =	shalt  }
0x7f: {  	_ =	shalt  }
0x80: {  	_ =	shalt  }
0x81: {  	_ =	shalt  }
0x82: {  	_ =	shalt  }
0x83: {  	_ =	shalt  }
0x84: {  	_ =	shalt  }
0x85: {  	_ =	shalt  }
0x86: {  	_ =	shalt  }
0x87: {  	_ =	shalt  }
.Lfunc_end0:
.L_simem_size_0:
called_computation_lowered:
.L_overlay_start_0:
0x88: {  	s0 =	sld [smem:$0x3FD9]  }
0x89: {  	s1 =	sld [smem:$0x3FFE];
	_ =	sdelay $0x3  }
0x8a: {  	s0 =	sadd.s32 s1, s0  }
0x8b: {  	[smem:$0x3FC6] =	sst s0  }
0x8c: {  	_ = 	snop  }
0x8d: {  	s0 =	sld [smem:$0x3FC9]  }
0x8e: {  	s16 =	sld [smem:$0x3FD0];
	(tm) =	ssettm $0x1  }
0x8f: {  	s2 =	sld [smem:$0x3FFB];
	_ =	sdelay $0x3  }
0x90: {  	_ =	strace s2  }
0x91: {  	s2 =	sld [smem:$0x3FFC];
	_ =	sdelay $0x3  }
0x92: {  	_ =	strace s2  }
0x93: {  	s2 =	sld [smem:$0x3FFD];
	_ =	sdelay $0x3  }
0x94: {  	_ =	strace s2  }
0x95: {  	_ =	strace $0x8FFFFFFF  }
0x96: {  	s17 =	sld [smem:$0x3FDB];
	_ =	sdelay $0x1  }
0x97: {  	s3 =	simm.s32 $_scs_section_size  }
0x98: {  	s4 =	simm.s32 $_size__tile_overlayer_lowered;
	s5 =	simm.s32 $_tile_overlayer_lowered  }
0x99: {  	s20 =	simm.s32 $0x1BFF;
	s19 =	sshll.u32 s5, $0x1;
	s2 =	sadd.s32 s3, s17  }
0x9a: {  	s6 =	simm.s32 $0x0;
	s18 =	sshll.u32 s4, $0x1;
	s4 =	sadd.s32 s19, s2  }
0x9b: {  	[timem:s6], [sflag:s20] =	dma.local [hbm:s4], s18  }
0x9c: {  	_ =	swait.ge [sflag:s20], s18  }
0x9d: {  	s3 =	ssub.s32 $0x0, s18;
	[sflag:s20] =	ssyncset.done $0x0  }
0x9e: {  	[sflag:s20] =	ssyncadd.s32 s3;
	_ =	sdelay $0x1  }
0x9f: {  	s21 =	simm.s32 $0x1B8B  }
0xa0: {  	_ =	swait.ge [sflag:s21], $0x1  }
0xa1: {  	[sflag:s21] =	ssyncset.done $0x0  }
0xa2: {  	s23 =	simm.s32 $0x1B8E;
	s22 =	sld [smem:$0x3FFE];
	[sflag:s21] =	ssyncadd.s32 $0xFFFFFFFF  }
0xa3: {  	s24 =	simm.s32 $execute0_lowered;
	[smem:$0x3FD2] =	sst s23  }
0xa4: {  	s4 =	sshll.u32 s24, $0x1;
	_ =	strace $0x80000046;
	[dreg:$0x1] =	wrdreg $0xFFFFFFFF  }
0xa5: {  	s25 =	simm.s32 $_size_execute0_lowered;
	s2 =	sadd.s32 s2, s4;
	[dreg:$0x0] =	wrdreg $0x0  }
0xa6: {  	s4 =	sshll.u32 s25, $0x1;
	[dreg:$0x2] =	wrdreg s2  }
0xa7: {  	[dreg:$0x3] =	wrdreg s4  }
0xa8: {  	[dreg:$0x4] =	wrdreg $0xC0  }
0xa9: {  	_ =	task [dreg:s6], $0x5FFFF  }
0xaa: {  	[dreg:$0x1] =	wrdreg $0xFFFFFFFF  }
0xab: {  	[dreg:$0x0] =	wrdreg $0x60  }
0xac: {  	[dreg:$0x2] =	wrdreg s0  }
0xad: {  	[dreg:$0x3] =	wrdreg s16  }
0xae: {  	[dreg:$0x4] =	wrdreg s22  }
0xaf: {  	[dreg:$0x5] =	wrdreg $0x9  }
0xb0: {  	_ =	task.clear_ibuf [dreg:s6], $0x6FFFF;
	_ =	strace $0x90000046  }
0xb1: {  	s26 =	simm.s32 $0x9;
	_ =	strace $0x80000048  }
0xb2: {  	_ =	swait.ge [sflag:s26], $0x1  }
0xb3: {  	[sflag:s26] =	ssyncadd.s32 $0xFFFFFFFF  }
0xb4: {  	_ =	strace $0x90000048  }
0xb5: {  	_ =	sfence  }
0xb6: {  	s28 =	sld [smem:$0x0];
	_ =	sdelay $0x1  }
0xb7: {  	s29 =	srdreg.scid  }
0xb8: {  	s30 =	sshll.u32 s29, $0xD;
	s31 =	sshrl.u32 s29, $0x2  }
0xb9: {  	s1 =	sand.u32 $0x1, s29;
	s2 =	sand.u32 $0x4000, s30;
	s0 =	sadd.s32 s31, s28  }
0xba: {  	s1 =	sor.u32 s2, s1;
	s0 =	sshll.u32 s0, $0x11  }
0xbb: {  	s0 =	sor.u32 s0, s1  }
0xbc: {  	s0 =	sadd.s32 $0x8F2B, s0  }
0xbd: {  	[sflag:s0] =	ssyncadd.remote.s32 $0x1  }
0xbe: {  	_ =	sfence.sel $0xFFFF  }
0xbf: {  	[dreg:$0x0] =	wrdreg $0xFFFFFFFF;
	(pc) =	sbr.abs _section_cstart, $3  }
0xc0: {  	[dreg:$0x1] =	wrdreg $0xFFFFFFFF  }
0xc1: {  	_ =	task.clear_ibuf [dreg:s6], $0x2FFFF;
	_ =	strace $0x9FFFFFFF  }
0xc2: {  	(tm) =	ssettm $0x7FFFFFFF  }
0xc3: {  	_ =	shalt  }
tec
execute0_lowered:
.L_overlay_start_1:
0x0: {  	(tag) =	ssettag $0x1  }
0x1: {  	s2 =	rddreg [dreg:$0x0]  }
0x2: {  	s1 =	rddreg [dreg:$0x1]  }
0x3: {  	s3 =	rddreg [dreg:$0x2]  }
0x4: {  	s0 =	rddreg [dreg:$0x3]  }
0x5: {  	_ =	strace $0x80000047;
	s4 =	simm.s32 $0x0;
	s25 =	simm.s32 $0x2  }
0x6: {  	[tilespmem:s4], [sflag:$0x2] =	stream.linear.gather [hbm4b:s2+s4], $0x4000, $0x38;
	[tilespmem:$0x19538] =	vst v63  }
0x7: {  	_ =	swait.ge [sflag:s25], $0x4000  }
0x8: {  	[sflag:s25] =	ssyncset.done $0x0  }
0x9: {  	s5 =	simm.s32 $0x20;
	[sflag:s25] =	ssyncadd.s32 $0xFFFFC000  }
0xa: {  	v0 =	vld [tilespmem:s5+$0xFFFFFFE0];
	_ =	sdelay $0x3  }
0xb: {  	s2 =	stileid.u32  }
0xc: {  	v1 =	vmov s2;
	v3 =	vand.u32 $0xF, v0;
	v0 =	vshll.u32 v0, $0xA  }
0xd: {  	v2 =	vimm.s32 $0x0;
	vm0 =	veq.s32 v3, v1;
	v3 =	vand.u32 $0xFFFFC000, v0  }
0xe: {  	v0 =	vlaneseq.u32;
	v3 =	vor.u32 s4, v3;
	v4 =	vsel vm0, $0x1, v2  }
0xf: {  	v3 =	vor.u32 v0, v3;
	(xrf0) =	vadd.scan.msk.s32 $0xffff, v4  }
0x10: {  	[tilespmem:s4+$0x4000] =	vst.msk vm0, v3  }
0x11: {  	v3 =	vld [tilespmem:s5+$0xFFFFFFF0];
	_ =	sdelay $0x3  }
0x12: {  	v4, _, _ =	vpop (xrf0)  }
0x13: {  	v5 =	vand.u32 $0xF, v3;
	(v2sf) =	vpush v4, $0xF  }
0x14: {  	vm0 =	veq.s32 v5, v1  }
0x15: {  	v4 =	vsel vm0, $0x1, v2  }
0x16: {  	(xrf0) =	vadd.scan.msk.s32 $0xffff, v4;
	_ =	sdelay $0x5  }
0x17: {  	v4, _, _ =	vpop (xrf0)  }
0x18: {  	(v2sf) =	vpush v4, $0xF;
	_ =	sdelay $0x2  }
0x19: {  	v3 =	vshll.u32 v3, $0xA  }
0x1a: {  	s26 =	simm.s32 $0x10;
	v3 =	vand.u32 $0xFFFFC000, v3  }
0x1b: {  	v3 =	vor.u32 s26, v3;
	s28 =	spop (v2sf)  }
0x1c: {  	v3 =	vor.u32 v0, v3;
	s4 =	sadd.s32 $0x0, s28  }
0x1d: {  	[tilespmem:s4+$0x4000] =	vst.msk vm0, v3  }
0x1e: {  	v3 =	vld [tilespmem:s5+$0x0];
	_ =	sdelay $0x4  }
0x1f: {  	v4 =	vand.u32 $0xF, v3;
	v3 =	vshll.u32 v3, $0xA  }
0x20: {  	s6 =	simm.s32 $0x20;
	vm0 =	veq.s32 v4, v1;
	v3 =	vand.u32 $0xFFFFC000, v3  }
0x21: {  	v3 =	vor.u32 s6, v3;
	v4 =	vsel vm0, $0x1, v2;
	s29 =	spop (v2sf)  }
0x22: {  	s4 =	sadd.s32 s4, s29;
	v3 =	vor.u32 v0, v3;
	(xrf0) =	vadd.scan.msk.s32 $0xffff, v4  }
0x23: {  	[tilespmem:s4+$0x4000] =	vst.msk vm0, v3  }
0x24: {  	v3 =	vld [tilespmem:s5+$0x10];
	_ =	sdelay $0x3  }
0x25: {  	v4, _, _ =	vpop (xrf0)  }
0x26: {  	v5 =	vand.u32 $0xF, v3;
	(v2sf) =	vpush v4, $0xF  }
0x27: {  	vm0 =	veq.s32 v5, v1  }
0x28: {  	v4 =	vsel vm0, $0x1, v2  }
0x29: {  	(xrf0) =	vadd.scan.msk.s32 $0xffff, v4;
	_ =	sdelay $0x5  }
0x2a: {  	v4, _, _ =	vpop (xrf0)  }
0x2b: {  	(v2sf) =	vpush v4, $0xF;
	_ =	sdelay $0x2  }
0x2c: {  	v3 =	vshll.u32 v3, $0xA  }
0x2d: {  	s30 =	simm.s32 $0x30;
	v3 =	vand.u32 $0xFFFFC000, v3  }
0x2e: {  	v3 =	vor.u32 s30, v3;
	s31 =	spop (v2sf)  }
0x2f: {  	v3 =	vor.u32 v0, v3;
	s7 =	sadd.s32 s4, s31  }
0x30: {  	s4 =	simm.s32 $0x60;
	[tilespmem:s7+$0x4000] =	vst.msk vm0, v3  }
0x31: {  	v3 =	vld [tilespmem:s4+$0xFFFFFFE0];
	_ =	sdelay $0x4  }
0x32: {  	v4 =	vand.u32 $0xF, v3;
	v3 =	vshll.u32 v3, $0xA  }
0x33: {  	s5 =	simm.s32 $0x40;
	vm0 =	veq.s32 v4, v1;
	v3 =	vand.u32 $0xFFFFC000, v3  }
0x34: {  	s3 =	sadd.s32 $0x400, s3;
	s6 =	simm.s32 $0x80;
	v3 =	vor.u32 s5, v3;
	v4 =	vsel vm0, $0x1, v2;
	s8 =	spop (v2sf)  }
.LBB2_1:
0x35: {  	p0 =	sne.s32 s6, $0x3FC0  }
0x36: {  	v3 =	vor.u32 v0, v3;
	(xrf0) =	vadd.scan.msk.s32 $0xffff, v4;
	s8 =	sadd.s32 s7, s8;
	s7 =	smov.u32 s6;
	s6 =	sadd.s32 $0x40, s6  }
0x37: {  	[tilespmem:s8+$0x4000] =	vst.msk vm0, v3  }
0x38: {  	v3 =	vld [tilespmem:s4+$0xFFFFFFF0];
	_ =	sdelay $0x3  }
0x39: {  	v4, _, _ =	vpop (xrf0)  }
0x3a: {  	v5 =	vand.u32 $0xF, v3;
	v3 =	vshll.u32 v3, $0xA;
	(v2sf) =	vpush v4, $0xF  }
0x3b: {  	s9 =	sadd.s32 $0x10, s5;
	vm0 =	veq.s32 v5, v1;
	v3 =	vand.u32 $0xFFFFC000, v3  }
0x3c: {  	v3 =	vor.u32 s9, v3;
	v4 =	vsel vm0, $0x1, v2  }
0x3d: {  	(xrf0) =	vadd.scan.msk.s32 $0xffff, v4;
	_ =	sdelay $0x5  }
0x3e: {  	v4, _, _ =	vpop (xrf0)  }
0x3f: {  	(v2sf) =	vpush v4, $0xF;
	_ =	sdelay $0x4  }
0x40: {  	s9 =	spop (v2sf)  }
0x41: {  	v3 =	vor.u32 v0, v3;
	s8 =	sadd.s32 s8, s9  }
0x42: {  	[tilespmem:s8+$0x4000] =	vst.msk vm0, v3  }
0x43: {  	v3 =	vld [tilespmem:s4+$0x0];
	_ =	sdelay $0x4  }
0x44: {  	v4 =	vand.u32 $0xF, v3;
	v3 =	vshll.u32 v3, $0xA  }
0x45: {  	s9 =	sadd.s32 $0x20, s5;
	vm0 =	veq.s32 v4, v1;
	v3 =	vand.u32 $0xFFFFC000, v3  }
0x46: {  	v3 =	vor.u32 s9, v3;
	v4 =	vsel vm0, $0x1, v2;
	s9 =	spop (v2sf)  }
0x47: {  	s8 =	sadd.s32 s8, s9;
	v3 =	vor.u32 v0, v3;
	(xrf0) =	vadd.scan.msk.s32 $0xffff, v4  }
0x48: {  	[tilespmem:s8+$0x4000] =	vst.msk vm0, v3  }
0x49: {  	v3 =	vld [tilespmem:s4+$0x10];
	_ =	sdelay $0x3  }
0x4a: {  	v4, _, _ =	vpop (xrf0)  }
0x4b: {  	v5 =	vand.u32 $0xF, v3;
	v3 =	vshll.u32 v3, $0xA;
	(v2sf) =	vpush v4, $0xF  }
0x4c: {  	s9 =	sadd.s32 $0x30, s5;
	s5 =	smov.u32 s7;
	vm0 =	veq.s32 v5, v1;
	v3 =	vand.u32 $0xFFFFC000, v3  }
0x4d: {  	v3 =	vor.u32 s9, v3;
	v4 =	vsel vm0, $0x1, v2  }
0x4e: {  	(xrf0) =	vadd.scan.msk.s32 $0xffff, v4;
	_ =	sdelay $0x5  }
0x4f: {  	v4, _, _ =	vpop (xrf0)  }
0x50: {  	(v2sf) =	vpush v4, $0xF;
	_ =	sdelay $0x4  }
0x51: {  	s7 =	spop (v2sf)  }
0x52: {  	v3 =	vor.u32 v0, v3;
	s7 =	sadd.s32 s8, s7  }
0x53: {  	s4 =	sadd.s32 $0x40, s4;
	[tilespmem:s7+$0x4000] =	vst.msk vm0, v3  }
0x54: {  	v3 =	vld [tilespmem:s4+$0xFFFFFFE0];
	_ =	sdelay $0x2  }
.Ltmp0:
0x55: {  	(pc) =	sbr.rel @p0 .LBB2_1-.Ltmp0, $4  }
0x56: {  	_ = 	snop  }
0x57: {  	v4 =	vand.u32 $0xF, v3;
	v3 =	vshll.u32 v3, $0xA  }
0x58: {  	vm0 =	veq.s32 v4, v1;
	v3 =	vand.u32 $0xFFFFC000, v3  }
0x59: {  	v3 =	vor.u32 s5, v3;
	v4 =	vsel vm0, $0x1, v2;
	s8 =	spop (v2sf)  }
0x5a: {  	v3 =	vor.u32 v0, v3;
	(xrf0) =	vadd.scan.msk.s32 $0xffff, v4;
	s6 =	sadd.s32 s7, s8  }
0x5b: {  	[tilespmem:s6+$0x4000] =	vst.msk vm0, v3  }
0x5c: {  	v3 =	vld [tilespmem:s4+$0xFFFFFFF0];
	_ =	sdelay $0x3  }
0x5d: {  	v4, _, _ =	vpop (xrf0)  }
0x5e: {  	v5 =	vand.u32 $0xF, v3;
	(v2sf) =	vpush v4, $0xF  }
0x5f: {  	vm13 =	veq.s32 v5, v1  }
0x60: {  	v55 =	vsel vm13, $0x1, v2  }
0x61: {  	(xrf0) =	vadd.scan.msk.s32 $0xffff, v55;
	_ =	sdelay $0x5  }
0x62: {  	v4, _, _ =	vpop (xrf0)  }
0x63: {  	(v2sf) =	vpush v4, $0xF;
	_ =	sdelay $0x2  }
0x64: {  	v3 =	vshll.u32 v3, $0xA  }
0x65: {  	s26 =	sadd.s32 $0x10, s5;
	v3 =	vand.u32 $0xFFFFC000, v3  }
0x66: {  	v3 =	vor.u32 s26, v3;
	s7 =	spop (v2sf)  }
0x67: {  	v3 =	vor.u32 v0, v3;
	s9 =	sadd.s32 s6, s7  }
0x68: {  	[tilespmem:s9+$0x4000] =	vst.msk vm13, v3  }
0x69: {  	v3 =	vld [tilespmem:s4+$0x0];
	_ =	sdelay $0x4  }
0x6a: {  	v56 =	vshll.u32 v3, $0xA  }
0x6b: {  	s28 =	sadd.s32 $0x20, s5;
	v4 =	vand.u32 $0xFFFFC000, v56  }
0x6c: {  	v3 =	vand.u32 $0xF, v3;
	v4 =	vor.u32 s28, v4;
	s8 =	spop (v2sf)  }
0x6d: {  	vm14 =	veq.s32 v3, v1;
	s9 =	sadd.s32 s9, s8;
	v57 =	vor.u32 v0, v4  }
0x6e: {  	[tilespmem:s9+$0x4000] =	vst.msk vm14, v57  }
0x6f: {  	v3 =	vld [tilespmem:s4+$0x10];
	_ =	sdelay $0x4  }
0x70: {  	v58 =	vand.u32 $0xF, v3  }
0x71: {  	v59 =	vsel vm14, $0x1, v2;
	vm15 =	veq.s32 v58, v1  }
0x72: {  	(xrf0) =	vadd.scan.msk.s32 $0xffff, v59;
	v1 =	vsel vm15, $0x1, v2  }
0x73: {  	(xrf0) =	vadd.scan.msk.s32 $0xffff, v1;
	_ =	sdelay $0x4  }
0x74: {  	v60, _, _ =	vpop (xrf0)  }
0x75: {  	(v2sf) =	vpush v60, $0xF;
	v61, _, _ =	vpop (xrf0)  }
0x76: {  	(v2sf) =	vpush v61, $0xF;
	_ =	sdelay $0xd  }
0x77: {  	s11 =	spop (v2sf)  }
0x78: {  	s12 =	sadd.s32 s9, s11;
	s10 =	spop (v2sf)  }
0x79: {  	s4 =	sadd.s32 s12, s10  }
0x7a: {  	s29 =	sadd.s32 $0xF, s4  }
0x7b: {  	s13 =	sand.u32 $0xF, s29  }
0x7c: {  	s30 =	sshra.s32 s29, $0x1F;
	p1 =	slt.s32 s29, $0x1;
	p0 =	sne.s32 s13, $0x0  }
0x7d: {  	s13 =	sshrl.u32 s30, $0x1C;
	p0 =	por !p1, !p0  }
0x7e: {  	s9 =	sadd.s32 s13, s29;
	s13 =	simm.s32 $0x1;
	p0 =	por !p0, !p0  }
0x7f: {  	s9 =	sshra.s32 s9, $0x4;
	s13 =	simm.s32 @!p0 $0x0  }
0x80: {  	s9 =	ssub.s32 s9, s13  }
0x81: {  	p0 =	slt.s32 s9, $0x1  }
.Ltmp1:
0x82: {  	v62 =	vshll.u32 v3, $0xA;
	(pc) =	sbr.rel @p0 .LBB2_6-.Ltmp1, $4  }
0x83: {  	s31 =	sadd.s32 $0x30, s5;
	v1 =	vand.u32 $0xFFFFC000, v62  }
0x84: {  	v1 =	vor.u32 s31, v1  }
0x85: {  	v63 =	vor.u32 v0, v1  }
0x86: {  	s5 =	simm.s32 $0x1;
	[tilespmem:s12+$0x4000] =	vst.msk vm15, v63  }
0x87: {  	v0 =	vimm.s32 $0x87654321;
	v1 =	vimm.s32 $0xFFEDCBA9;
	v2 =	vimm.s32 $0x98765432  }
0x88: {  	v3 =	vimm.s32 $0xFFFEDCBA;
	vm0 =	vmmov $0x7fff;
	v6 =	vimm.s32 $0xE0D0C0B  }
0x89: {  	vm1 =	vcmask $0x2F20;
	vm2 =	vmmov $0x3fff;
	v7 =	vimm.s32 $0x0  }
0x8a: {  	v10 =	vimm.s32 $0x0;
	v11 =	vimm.s32 $0x0;
	v12 =	vimm.s32 $0xFEDCBA98  }
0x8b: {  	v17 =	vimm.s32 $0x0;
	v19 =	vimm.s32 $0x0;
	v20 =	vimm.s32 $0x0  }
0x8c: {  	v21 =	vimm.s32 $0x0;
	v23 =	vimm.s32 $0x0;
	v29 =	vimm.s32 $0xF  }
0x8d: {  	v32 =	vimm.s32 $0x0;
	v35 =	vimm.s32 $0x0;
	v40 =	vimm.s32 $0x0  }
0x8e: {  	v0 =	vunpack.c.l.s4.s8 v0;
	v1 =	vunpack.c.l.s4.s8 v1;
	v2 =	vunpack.c.l.s4.s8 v2  }
0x8f: {  	v3 =	vunpack.c.l.s4.s8 v3;
	v15 =	vunpack.c.0.s8.s32 v6;
	v6 =	vimm.s32 $0xBA987654  }
0x90: {  	v7 =	vsel vm2, $0xFFFFFFFF, v7;
	vm2 =	vmmov $0x1fff;
	v18 =	vunpack.c.l.s4.s8 v12  }
0x91: {  	v6 =	vunpack.c.l.s4.s8 v6;
	[tilespmem:$0x1FF10] =	vst v7;
	v7 =	vimm.s32 $0xF0E0D0C;
	v10 =	vsel vm2, $0xFFFFFFFF, v10  }
0x92: {  	vm2 =	vmmov $0xfff;
	v0 =	vunpack.c.0.s8.s32 v0;
	v13 =	vunpack.c.0.s8.s32 v1  }
0x93: {  	v4 =	vunpack.c.0.s8.s32 v2;
	v14 =	vunpack.c.0.s8.s32 v3;
	v3 =	vimm.s32 $0xA9876543  }
0x94: {  	s8 =	sadd.s32 s8, s7;
	v2 =	vlaneseq.u32;
	[tilespmem:$0x1FF20] =	vst v10;
	v25 =	vunpack.c.0.s8.s32 v7;
	v10 =	vimm.s32 $0xF0F0E0D  }
0x95: {  	s8 =	sadd.s32 s11, s8;
	v11 =	vsel vm2, $0xFFFFFFFF, v11;
	v5 =	vunpack.c.l.s4.s8 v3;
	v3 =	vimm.s32 $0x0  }
0x96: {  	s8 =	sadd.s32 s10, s8;
	v6 =	vunpack.c.0.s8.s32 v6;
	v27 =	vunpack.c.0.s8.s32 v10;
	v10 =	vimm.s32 $0xDCBA9876  }
0x97: {  	s8 =	sadd.s32 s6, s8;
	[tilespmem:$0x1FF30] =	vst v11;
	v11 =	vimm.s32 $0xEDCBA987;
	v16 =	vadd.s32 $0x5, v2;
	v22 =	vadd.s32 $0xA, v2  }
0x98: {  	v24 =	vadd.s32 $0xB, v2;
	v26 =	vadd.s32 $0xC, v2;
	v37 =	vmov s8  }
0x99: {  	v28 =	vadd.s32 $0xD, v2;
	v31 =	vadd.s32 $0xE, v2;
	v1 =	vcombine.low v0, v13  }
0x9a: {  	v0 =	vadd.s32 $0x1, v2;
	v3 =	vsel vm0, $0xFFFFFFFF, v3;
	v5 =	vunpack.c.0.s8.s32 v5  }
0x9b: {  	v4 =	vcombine.low v4, v14;
	vm0 =	vcmask $0x1F00;
	v10 =	vunpack.c.l.s4.s8 v10  }
0x9c: {  	v11 =	vunpack.c.l.s4.s8 v11;
	vm5 =	vgt.s32 v37, v2;
	v5 =	vnsel vm0, $0xF, v5  }
0x9d: {  	vm7 =	vgt.s32 v37, v31;
	v8 =	vsel vm1, v15, v5;
	v5 =	vimm.s32 $0xCBA98765  }
0x9e: {  	vm12 =	vgt.s32 v37, v26;
	vm11 =	vgt.s32 v37, v28;
	v9 =	vunpack.c.l.s4.s8 v5  }
0x9f: {  	vm8 =	vgt.s32 v37, v22;
	vm13 =	vgt.s32 v37, v24;
	vm10 =	vgt.s32 v37, v16  }
0xa0: {  	[tilespmem:$0x1FF00] =	vst v3;
	v3 =	vadd.s32 $0x2, v2;
	v6 =	vnsel vm0, $0xF, v6;
	v9 =	vunpack.c.0.s8.s32 v9  }
0xa1: {  	v13 =	vnsel vm0, $0xF, v13;
	v7 =	vsel vm1, v25, v6;
	v10 =	vunpack.c.0.s8.s32 v10  }
0xa2: {  	v6 =	vadd.s32 $0x4, v2;
	v11 =	vunpack.c.0.s8.s32 v11;
	v9 =	vnsel vm0, $0xF, v9  }
0xa3: {  	v10 =	vnsel vm0, $0xF, v10;
	v9 =	vsel vm1, v27, v9;
	vm1 =	vmmov $0x7ff  }
0xa4: {  	v11 =	vnsel vm0, $0xF, v11;
	v17 =	vsel vm1, $0xFFFFFFFF, v17;
	vm1 =	vcmask $0x2320  }
0xa5: {  	v5 =	vadd.s32 $0x3, v2;
	[tilespmem:$0x1FF40] =	vst v17;
	v12 =	vsel vm1, $0xE, v10;
	v17 =	vadd.s32 $0x6, v2  }
0xa6: {  	v10 =	vunpack.c.0.s8.s32 v18;
	vm1 =	vmmov $0x3ff;
	v18 =	vimm.s32 $0x0  }
0xa7: {  	v18 =	vsel vm1, $0xFFFFFFFF, v18;
	vm1 =	vmmov $0x1ff;
	vm9 =	vgt.s32 v37, v17  }
0xa8: {  	[tilespmem:$0x1FF50] =	vst v18;
	v18 =	vadd.s32 $0x7, v2;
	v19 =	vsel vm1, $0xFFFFFFFF, v19;
	vm1 =	vmmov $0xff  }
0xa9: {  	v10 =	vnsel vm0, $0xF, v10;
	[tilespmem:$0x1FF60] =	vst v19;
	v20 =	vsel vm1, $0xFFFFFFFF, v20;
	vm1 =	vmmov $0x7f  }
0xaa: {  	v19 =	vadd.s32 $0x8, v2;
	[tilespmem:$0x1FF70] =	vst v20;
	v20 =	vadd.s32 $0x9, v2;
	v21 =	vsel vm1, $0xFFFFFFFF, v21  }
0xab: {  	vm1 =	vmmov $0x3f;
	vm15 =	vgt.s32 v37, v19;
	[tilespmem:$0x1FF80] =	vst v21;
	v21 =	vnsel vm0, $0xF, v14  }
0xac: {  	s7 =	simm.s32 $0x4000;
	vm0 =	vcmask $0xF00;
	v23 =	vsel vm1, $0xFFFFFFFF, v23;
	vm1 =	vmmov $0x1f  }
0xad: {  	v14 =	vld [tilespmem:s7+$0x0];
	vm14 =	vgt.s32 v37, v20;
	[tilespmem:$0x1FF90] =	vst v23;
	v23 =	vnsel vm0, $0xF, v15;
	v15 =	vimm.s32 $0x0  }
0xae: {  	v25 =	vnsel vm0, $0xF, v25;
	v27 =	vnsel vm0, $0xF, v27;
	v15 =	vsel vm1, $0xFFFFFFFF, v15  }
0xaf: {  	vm0 =	vcmask $0x300;
	vm1 =	vmmov $0xf;
	[tilespmem:$0x1FFA0] =	vst v15;
	v15 =	vimm.s32 $0x0  }
0xb0: {  	v30 =	vsel vm0, $0xE, v29;
	vm0 =	vmmov $0x3;
	v15 =	vsel vm1, $0xFFFFFFFF, v15  }
0xb1: {  	p0 =	sne.s32 s9, $0x1;
	v32 =	vsel vm0, $0xFFFFFFFF, v32;
	vm1 =	vmmov $0x7;
	[tilespmem:$0x1FFB0] =	vst v15;
	v15 =	vimm.s32 $0x0  }
.Ltmp2:
0xb2: {  	vm0 =	vmmov $0x1;
	[tilespmem:$0x1FFD0] =	vst v32;
	v14 =	vnsel vm5, $0x0, v14;
	v15 =	vsel vm1, $0xFFFFFFFF, v15;
	(pc) =	sbr.rel @!p0 .LBB2_5-.Ltmp2, $4  }
0xb3: {  	v32 =	vadd.s32 $0xF, v2;
	v35 =	vsel vm0, $0xFFFFFFFF, v35;
	[tilespmem:$0x1FFC0] =	vst v15;
	v15 =	vshra.s32 v14, $0xE  }
0xb4: {  	vm0 =	vgt.s32 v37, v18;
	v34 =	vperm.xlane v15, v30;
	v33 =	vperm.xlane v15, v29  }
0xb5: {  	[tilespmem:$0x1FFE0] =	vst v35;
	v40 =	vsel vm0, $0xFFFFFFFF, v40;
	v36 =	vperm.xlane v15, v25;
	v35 =	vperm.xlane v15, v27  }
0xb6: {  	s9 =	sadd.s32 $0xFFFFFFFF, s9;
	s6 =	simm.s32 $0x8010;
	vm6 =	vgt.s32 v37, v32;
	[tilespmem:$0x1FFF0] =	vst v40;
	v38 =	vperm.xlane v15, v21;
	v39 =	vperm.xlane v15, v23  }
.LBB2_4:
0xb7: {  	v40 =	vimm.s32 $0x0;
	v48 =	vimm.s32 $0x0;
	v49 =	vimm.s32 $0x0  }
0xb8: {  	v50 =	vimm.s32 $0x0;
	v51 =	vimm.s32 $0x0;
	v52 =	vimm.s32 $0x0  }
0xb9: {  	vm1 =	vgt.s32 v37, v6;
	v41 =	vperm.xlane v15, v13;
	v44 =	vperm.xlane v15, v7  }
0xba: {  	vm3 =	vgt.s32 v37, v5;
	v46 =	vperm.xlane v15, v1;
	v54 =	vperm.xlane v15, v8  }
0xbb: {  	v47 =	vperm.xlane v15, v4;
	v55 =	vimm.s32 $0x0;
	v56 =	vimm.s32 $0x0  }
0xbc: {  	v57 =	vimm.s32 $0x0;
	v58 =	vimm.s32 $0x0;
	v40 =	vsel vm13, $0xFFFFFFFF, v40  }
0xbd: {  	v59 =	vimm.s32 $0x0;
	vm0 =	veq.s32 v34, v15;
	[tilespmem:$0x1FE60] =	vst v40;
	v40 =	vsel vm7, $0xFFFFFFFF, v48  }
0xbe: {  	v34 =	vsel vm0, $0xFFFFFFFF, v55;
	vm0 =	veq.s32 v33, v15;
	[tilespmem:$0x1FEC0] =	vst v40;
	v40 =	vsel vm6, $0xFFFFFFFF, v49  }
0xbf: {  	v60 =	vimm.s32 $0x0;
	v61 =	vimm.s32 $0x0;
	v33 =	vsel vm0, $0xFFFFFFFF, v56;
	[tilespmem:$0x1FEE0] =	vst v40  }
0xc0: {  	vm2 =	vmmov vm14;
	vm0 =	veq.s32 v39, v15;
	v40 =	vsel vm12, $0xFFFFFFFF, v50;
	[tilespmem:$0x1FED0] =	vst v33  }
0xc1: {  	v62 =	vld [tilespmem:$0x1FF00];
	vm14 =	veq.s32 v46, v15;
	vm7 =	veq.s32 v44, v15;
	v33 =	vsel vm0, $0xFFFFFFFF, v57;
	[tilespmem:$0x1FE70] =	vst v40  }
0xc2: {  	v63 =	vld [tilespmem:$0x1FF10];
	vm12 =	vgt.s32 v37, v3;
	vm0 =	veq.s32 v36, v15;
	v40 =	vsel vm5, $0xFFFFFFFF, v51;
	[tilespmem:$0x1FE50] =	vst v33  }
0xc3: {  	v44 =	vld [tilespmem:$0x1FF80];
	v33 =	vsel vm0, $0xFFFFFFFF, v58;
	vm0 =	veq.s32 v35, v15;
	[tilespmem:$0x1FEF0] =	vst v40;
	v40 =	vsel vm11, $0xFFFFFFFF, v52  }
0xc4: {  	v36 =	vld [tilespmem:$0x1FF20];
	vm11 =	vgt.s32 v37, v0;
	[tilespmem:$0x1FE80] =	vst v33;
	v33 =	vsel vm0, $0xFFFFFFFF, v59;
	vm0 =	veq.s32 v41, v15  }
0xc5: {  	v46 =	vld [tilespmem:$0x1FF90];
	[tilespmem:$0x1FEA0] =	vst v33;
	v33 =	vsel vm0, $0xFFFFFFFF, v60;
	vm0 =	veq.s32 v38, v15;
	vm11 =	vmand vm14, vm11  }
0xc6: {  	v37 =	vld [tilespmem:$0x1FF30];
	vm14 =	vnez.u8 v62;
	[tilespmem:$0x1FE30] =	vst v33;
	v33 =	vsel vm0, $0xFFFFFFFF, v61;
	vm0 =	veq.s32 v47, v15  }
0xc7: {  	v55 =	vld [tilespmem:$0x1FFC0];
	vm11 =	vmand vm11, vm14;
	vm14 =	vnez.u8 v63;
	vm0 =	vmand vm0, vm12  }
0xc8: {  	v42 =	vperm.xlane v15, v12;
	v38 =	vld [tilespmem:$0x1FF40];
	vm12 =	veq.s32 v54, v15;
	vm0 =	vmand vm0, vm14  }
0xc9: {  	v39 =	vld [tilespmem:$0x1FF50];
	vm3 =	vmand vm12, vm3;
	vm0 =	vmor vm11, vm0;
	vm11 =	vnez.u8 v36  }
0xca: {  	v45 =	vperm.xlane v15, v9;
	vm6 =	veq.s32 v42, v15;
	v42 =	vld [tilespmem:$0x1FF70];
	vm3 =	vmand vm3, vm11  }
0xcb: {  	vm1 =	vmand vm7, vm1;
	[tilespmem:$0x1FE90] =	vst v40;
	v40 =	vld [tilespmem:$0x1FFF0];
	vm0 =	vmor vm0, vm3;
	vm3 =	vnez.u8 v37  }
0xcc: {  	v43 =	vperm.xlane v15, v11;
	vm5 =	veq.s32 v45, v15;
	v41 =	vld [tilespmem:$0x1FF60];
	vm1 =	vmand vm1, vm3  }
0xcd: {  	v48 =	vld [tilespmem:$0x1FE60];
	vm3 =	vmand vm5, vm10;
	vm0 =	vmor vm0, vm1;
	vm1 =	vnez.u8 v38  }
0xce: {  	vm13 =	veq.s32 v43, v15;
	v49 =	vld [tilespmem:$0x1FFA0];
	vm1 =	vmand vm3, vm1  }
0xcf: {  	[tilespmem:$0x1FEB0] =	vst v34;
	v43 =	vld [tilespmem:$0x1FE30];
	vm3 =	vmand vm6, vm9;
	vm0 =	vmor vm0, vm1;
	vm1 =	vnez.u8 v39  }
0xd0: {  	v53 =	vperm.xlane v15, v10;
	v56 =	vld [tilespmem:$0x1FEB0];
	[tilespmem:$0x1FE40] =	vst v33;
	vm1 =	vmand vm3, vm1;
	vm3 =	vnez.u8 v40  }
0xd1: {  	v45 =	vld [tilespmem:$0x1FE40];
	vm3 =	vmand vm13, vm3;
	vm0 =	vmor vm0, vm1;
	vm1 =	vnez.u8 v41  }
0xd2: {  	vm4 =	veq.s32 v53, v15;
	v50 =	vld [tilespmem:$0x1FE70];
	vm1 =	vmand vm3, vm1  }
0xd3: {  	v47 =	vld [tilespmem:$0x1FE50];
	vm3 =	vmand vm4, vm15;
	vm0 =	vmor vm0, vm1;
	vm1 =	vnez.u8 v42  }
0xd4: {  	v52 =	vld [tilespmem:$0x1FFB0];
	vm1 =	vmand vm3, vm1;
	vm3 =	vnez.u8 v43  }
0xd5: {  	v51 =	vld [tilespmem:$0x1FE80];
	vm3 =	vmand vm3, vm2;
	vm0 =	vmor vm0, vm1;
	vm1 =	vnez.u8 v44  }
0xd6: {  	v53 =	vld [tilespmem:$0x1FE90];
	vm2 =	vnez.u8 v45;
	vm1 =	vmand vm3, vm1  }
0xd7: {  	v54 =	vld [tilespmem:$0x1FEA0];
	vm2 =	vmand vm2, vm8;
	vm0 =	vmor vm0, vm1;
	vm1 =	vnez.u8 v46  }
0xd8: {  	v57 =	vld [tilespmem:$0x1FEC0];
	vm3 =	vnez.u8 v48;
	vm1 =	vmand vm2, vm1;
	vm2 =	vnez.u8 v47  }
0xd9: {  	v58 =	vld [tilespmem:$0x1FFD0];
	vm2 =	vmand vm2, vm3;
	vm0 =	vmor vm0, vm1;
	vm1 =	vnez.u8 v49  }
0xda: {  	v59 =	vld [tilespmem:$0x1FED0];
	vm3 =	vnez.u8 v51;
	vm1 =	vmand vm2, vm1;
	vm2 =	vnez.u8 v50  }
0xdb: {  	v60 =	vld [tilespmem:$0x1FEE0];
	vm2 =	vmand vm3, vm2;
	vm0 =	vmor vm0, vm1;
	vm1 =	vnez.u8 v52  }
0xdc: {  	v61 =	vld [tilespmem:$0x1FFE0];
	vm3 =	vnez.u8 v54;
	vm1 =	vmand vm2, vm1;
	vm2 =	vnez.u8 v53  }
0xdd: {  	vm2 =	vmand vm3, vm2;
	vm0 =	vmor vm0, vm1;
	vm1 =	vnez.u8 v55  }
0xde: {  	vm3 =	vnez.u8 v57;
	vm1 =	vmand vm2, vm1;
	vm2 =	vnez.u8 v56  }
0xdf: {  	v62 =	vld [tilespmem:$0x1FEF0];
	vm2 =	vmand vm2, vm3;
	vm0 =	vmor vm0, vm1;
	vm1 =	vnez.u8 v58  }
0xe0: {  	vm3 =	vnez.u8 v60;
	vm1 =	vmand vm2, vm1;
	vm2 =	vnez.u8 v59  }
0xe1: {  	vm2 =	vmand vm2, vm3;
	vm0 =	vmor vm0, vm1;
	vm1 =	vnez.u8 v61  }
0xe2: {  	vm1 =	vmand vm2, vm1  }
0xe3: {  	vm0 =	vmor vm0, vm1  }
0xe4: {  	vm1 =	vnez.u8 v62;
	vm0 =	vmneg vm0  }
0xe5: {  	vm0 =	vmand vm1, vm0;
	_ =	sdelay $0x4  }
0xe6: {  	v14 =	vand.u32 $0x3FFF, v14  }
0xe7: {  	s7 =	sadd.s32 $0x10, s7;
	[tilespmem:v15+s6+$0x0] =	vst.idx.msk vm0, v14  }
0xe8: {  	v14 =	vld [tilespmem:s7+$0x0]  }
0xe9: {  	s8 =	sadd.s32 $0xFFFFFFF0, s8  }
0xea: {  	v63 =	vimm.s32 $0x0;
	v37 =	vmov s8  }
0xeb: {  	vm7 =	vgt.s32 v37, v31;
	vm5 =	vgt.s32 v37, v2;
	vm12 =	vgt.s32 v37, v26  }
0xec: {  	p0 =	sne.s32 s9, $0x1;
	vm11 =	vgt.s32 v37, v28;
	vm14 =	vgt.s32 v37, v20;
	vm10 =	vgt.s32 v37, v16  }
.Ltmp3:
0xed: {  	vm6 =	vgt.s32 v37, v32;
	vm0 =	vgt.s32 v37, v18;
	v14 =	vnsel vm5, $0x0, v14;
	(pc) =	sbr.rel @p0 .LBB2_4-.Ltmp3, $4  }
0xee: {  	vm9 =	vgt.s32 v37, v17;
	v33 =	vsel vm0, $0xFFFFFFFF, v63;
	v15 =	vshra.s32 v14, $0xE  }
0xef: {  	vm13 =	vgt.s32 v37, v24;
	[tilespmem:$0x1FFF0] =	vst v33;
	v34 =	vperm.xlane v15, v30;
	v33 =	vperm.xlane v15, v29  }
0xf0: {  	vm15 =	vgt.s32 v37, v19;
	v36 =	vperm.xlane v15, v25;
	v35 =	vperm.xlane v15, v27  }
0xf1: {  	s9 =	sadd.s32 $0xFFFFFFFF, s9;
	vm8 =	vgt.s32 v37, v22;
	v38 =	vperm.xlane v15, v21;
	v39 =	vperm.xlane v15, v23  }
.LBB2_5:
0xf2: {  	v1 =	vperm.xlane v15, v1;
	v41 =	vld [tilespmem:$0x1FF00]  }
0xf3: {  	v2 =	vperm.xlane v15, v4;
	v40 =	vperm.xlane v15, v8;
	vm0 =	vgt.s32 v37, v0;
	v42 =	vld [tilespmem:$0x1FF10]  }
0xf4: {  	vm1 =	vgt.s32 v37, v3;
	v43 =	vperm.xlane v15, v7;
	v44 =	vld [tilespmem:$0x1FF20];
	v45 =	vperm.xlane v15, v9  }
0xf5: {  	v47 =	vperm.xlane v15, v12;
	vm2 =	veq.s32 v1, v15;
	vm3 =	veq.s32 v2, v15  }
0xf6: {  	v46 =	vld [tilespmem:$0x1FF30];
	v49 =	vperm.xlane v15, v11;
	vm0 =	vmand vm2, vm0;
	vm1 =	vmand vm3, vm1  }
0xf7: {  	vm2 =	vgt.s32 v37, v5;
	vm3 =	veq.s32 v40, v15;
	vm4 =	vnez.u8 v41  }
0xf8: {  	v48 =	vld [tilespmem:$0x1FF40];
	vm2 =	vmand vm3, vm2;
	vm0 =	vmand vm0, vm4;
	vm4 =	vnez.u8 v42  }
0xf9: {  	vm3 =	veq.s32 v43, v15;
	vm1 =	vmand vm1, vm4;
	vm4 =	vnez.u8 v44  }
0xfa: {  	v51 =	vld [tilespmem:$0x1FF50];
	vm0 =	vmor vm0, vm1;
	vm1 =	vmand vm2, vm4;
	vm2 =	vgt.s32 v37, v6  }
0xfb: {  	v50 =	vperm.xlane v15, v10;
	v53 =	vld [tilespmem:$0x1FFF0];
	vm4 =	vnez.u8 v46;
	vm2 =	vmand vm3, vm2  }
0xfc: {  	v54 =	vld [tilespmem:$0x1FF60];
	vm0 =	vmor vm0, vm1;
	vm1 =	vmand vm2, vm4;
	vm4 =	veq.s32 v45, v15  }
0xfd: {  	v52 =	vperm.xlane v15, v13;
	vm2 =	vmand vm4, vm10;
	vm4 =	vnez.u8 v48  }
0xfe: {  	v55 =	vld [tilespmem:$0x1FF70];
	vm0 =	vmor vm0, vm1;
	vm10 =	veq.s32 v47, v15;
	vm1 =	vmand vm2, vm4  }
0xff: {  	v56 =	vld [tilespmem:$0x1FF80];
	vm2 =	vmand vm10, vm9;
	vm4 =	vnez.u8 v51;
	vm9 =	veq.s32 v49, v15  }
0x100: {  	v57 =	vld [tilespmem:$0x1FF90];
	vm10 =	vnez.u8 v53;
	vm0 =	vmor vm0, vm1;
	vm1 =	vmand vm2, vm4  }
0x101: {  	v59 =	vld [tilespmem:$0x1FFB0];
	vm2 =	vmand vm9, vm10;
	vm9 =	veq.s32 v50, v15;
	vm10 =	vnez.u8 v54  }
0x102: {  	vm4 =	veq.s32 v38, v15;
	vm0 =	vmor vm0, vm1;
	vm2 =	vmand vm2, vm10  }
0x103: {  	v58 =	vld [tilespmem:$0x1FFA0];
	vm1 =	vmand vm9, vm15;
	vm9 =	veq.s32 v52, v15;
	vm10 =	vnez.u8 v55  }
0x104: {  	vm15 =	vnez.u8 v56;
	vm0 =	vmor vm0, vm2;
	vm1 =	vmand vm1, vm10  }
0x105: {  	v61 =	vld [tilespmem:$0x1FFD0];
	vm14 =	vmand vm9, vm14;
	vm2 =	vmand vm4, vm8;
	vm9 =	veq.s32 v39, v15  }
0x106: {  	v60 =	vld [tilespmem:$0x1FFC0];
	vm10 =	vnez.u8 v57;
	vm8 =	vnez.u8 v59;
	vm0 =	vmor vm0, vm1  }
0x107: {  	vm1 =	vmand vm14, vm15;
	vm2 =	vmand vm2, vm10;
	vm14 =	veq.s32 v36, v15  }
0x108: {  	vm15 =	vnez.u8 v58;
	vm10 =	veq.s32 v34, v15;
	vm0 =	vmor vm0, vm1  }
0x109: {  	v62 =	vld [tilespmem:$0x1FFE0];
	vm1 =	vmand vm9, vm13;
	vm4 =	vmand vm14, vm12;
	vm9 =	veq.s32 v35, v15  }
0x10a: {  	vm12 =	veq.s32 v33, v15;
	vm13 =	vnez.u8 v61;
	vm0 =	vmor vm0, vm2  }
0x10b: {  	vm1 =	vmand vm1, vm15;
	vm2 =	vmand vm9, vm11;
	vm11 =	vnez.u8 v60  }
0x10c: {  	vm14 =	vmand vm12, vm6;
	vm0 =	vmor vm0, vm1;
	vm1 =	vmand vm4, vm8  }
0x10d: {  	vm2 =	vmand vm2, vm11;
	vm0 =	vmor vm0, vm1;
	vm1 =	vmand vm10, vm7  }
0x10e: {  	vm15 =	vnez.u8 v62;
	vm0 =	vmor vm0, vm2;
	vm1 =	vmand vm1, vm13  }
0x10f: {  	vm0 =	vmor vm0, vm1;
	vm1 =	vmand vm14, vm15  }
0x110: {  	vm0 =	vmor vm0, vm1  }
0x111: {  	vm0 =	vmneg vm0  }
0x112: {  	vm0 =	vmand vm5, vm0;
	_ =	sdelay $0x4  }
0x113: {  	v63 =	vand.u32 $0x3FFF, v14  }
0x114: {  	[tilespmem:v15+s6+$0x0] =	vst.idx.msk vm0, v63  }
.LBB2_6:
0x115: {  	s6 =	sadd.s32 $0x7F, s4  }
0x116: {  	s7 =	sand.u32 $0x7F, s6  }
0x117: {  	s8 =	sshra.s32 s6, $0x1F;
	p0 =	slt.s32 s6, $0x1;
	p1 =	sne.s32 s7, $0x0  }
0x118: {  	s31 =	sshrl.u32 s8, $0x19;
	p0 =	por !p0, !p1  }
0x119: {  	s6 =	sadd.s32 s31, s6;
	p0 =	por !p0, !p0  }
0x11a: {  	s6 =	sshra.s32 s6, $0x7;
	s5 =	simm.s32 @!p0 $0x0  }
0x11b: {  	s5 =	ssub.s32 s6, s5  }
0x11c: {  	p0 =	slt.s32 s5, $0x1  }
.Ltmp4:
0x11d: {  	_ = 	snop;
	(pc) =	sbr.rel @p0 .LBB2_9-.Ltmp4, $1  }
0x11e: {  	_ =	sdelay $0x3  }
0x11f: {  	s6 =	simm.s32 $0x0;
	s7 =	simm.s32 $0x4040  }
0x120: {  	s8 =	simm.s32 $0x8010;
	s9 =	simm.s32 $0x80;
	s10 =	simm.s32 $0x17438  }
0x121: {  	v0 =	vmov s4;
	v1 =	vlaneseq.u32;
	v2 =	vimm.s32 $0x0;
	s4 =	simm.s32 $0x17538;
	s11 =	simm.s32 $0x1;
	s12 =	simm.s32 $0x174B8  }
.LBB2_8:
0x122: {  	v3 =	vld [tilespmem:s7+$0xFFFFFFC0];
	_ =	sdelay $0x2  }
0x123: {  	v4 =	vor.u32 s6, v1  }
0x124: {  	vm0 =	vlt.s32 v4, v0  }
0x125: {  	v3 =	vnsel vm0, $0x0, v3  }
0x126: {  	v49 =	vshra.s32 v3, $0xE;
	_ =	sdelay $0x4  }
0x127: {  	v4 =	vld.idx.msk [tilespmem:v49+s8+$0x0], $0xffff;
	_ =	sdelay $0x2  }
0x128: {  	v3 =	vand.u32 $0x3FFF, v3  }
0x129: {  	v6 =	vperm.xlane v3, v2  }
0x12a: {  	v5 =	vperm.xlane v4, v2  }
0x12b: {  	v3 =	vsel vm0, v3, v6  }
0x12c: {  	[tilespmem:$0x174B8] =	vst v3;
	v4 =	vsel vm0, v4, v5  }
0x12d: {  	[tilespmem:$0x17438] =	vst v4  }
0x12e: {  	v3 =	vld [tilespmem:s7+$0xFFFFFFD0];
	_ =	sdelay $0x2  }
0x12f: {  	s13 =	sadd.s32 $0x10, s6  }
0x130: {  	v50 =	vor.u32 s13, v1  }
0x131: {  	vm9 =	vlt.s32 v50, v0;
	v51 =	vshra.s32 v3, $0xE  }
0x132: {  	v4 =	vnsel vm9, $0x0, v51;
	_ =	sdelay $0x4  }
0x133: {  	v4 =	vld.idx.msk [tilespmem:v4+s8+$0x0], $0xffff;
	_ =	sdelay $0x2  }
0x134: {  	v3 =	vand.u32 $0x3FFF, v3  }
0x135: {  	v3 =	vsel vm9, v3, v6  }
0x136: {  	[tilespmem:$0x174C8] =	vst v3;
	v4 =	vsel vm9, v4, v5  }
0x137: {  	[tilespmem:$0x17448] =	vst v4  }
0x138: {  	v3 =	vld [tilespmem:s7+$0xFFFFFFE0];
	_ =	sdelay $0x2  }
0x139: {  	s25 =	sadd.s32 $0x20, s6  }
0x13a: {  	v52 =	vor.u32 s25, v1  }
0x13b: {  	vm10 =	vlt.s32 v52, v0;
	v53 =	vshra.s32 v3, $0xE  }
0x13c: {  	v4 =	vnsel vm10, $0x0, v53;
	_ =	sdelay $0x4  }
0x13d: {  	v4 =	vld.idx.msk [tilespmem:v4+s8+$0x0], $0xffff;
	_ =	sdelay $0x2  }
0x13e: {  	v3 =	vand.u32 $0x3FFF, v3  }
0x13f: {  	v3 =	vsel vm10, v3, v6  }
0x140: {  	[tilespmem:$0x174D8] =	vst v3;
	v4 =	vsel vm10, v4, v5  }
0x141: {  	[tilespmem:$0x17458] =	vst v4  }
0x142: {  	v3 =	vld [tilespmem:s7+$0xFFFFFFF0];
	_ =	sdelay $0x2  }
0x143: {  	s26 =	sadd.s32 $0x30, s6  }
0x144: {  	v54 =	vor.u32 s26, v1  }
0x145: {  	vm11 =	vlt.s32 v54, v0;
	v55 =	vshra.s32 v3, $0xE  }
0x146: {  	v4 =	vnsel vm11, $0x0, v55;
	_ =	sdelay $0x4  }
0x147: {  	v4 =	vld.idx.msk [tilespmem:v4+s8+$0x0], $0xffff;
	_ =	sdelay $0x2  }
0x148: {  	v3 =	vand.u32 $0x3FFF, v3  }
0x149: {  	v3 =	vsel vm11, v3, v6  }
0x14a: {  	[tilespmem:$0x174E8] =	vst v3;
	v4 =	vsel vm11, v4, v5  }
0x14b: {  	[tilespmem:$0x17468] =	vst v4  }
0x14c: {  	v3 =	vld [tilespmem:s7+$0x0];
	_ =	sdelay $0x2  }
0x14d: {  	s28 =	sadd.s32 $0x40, s6  }
0x14e: {  	v56 =	vor.u32 s28, v1  }
0x14f: {  	vm12 =	vlt.s32 v56, v0;
	v57 =	vshra.s32 v3, $0xE  }
0x150: {  	v4 =	vnsel vm12, $0x0, v57;
	_ =	sdelay $0x4  }
0x151: {  	v4 =	vld.idx.msk [tilespmem:v4+s8+$0x0], $0xffff;
	_ =	sdelay $0x2  }
0x152: {  	v3 =	vand.u32 $0x3FFF, v3  }
0x153: {  	v3 =	vsel vm12, v3, v6  }
0x154: {  	[tilespmem:$0x174F8] =	vst v3;
	v4 =	vsel vm12, v4, v5  }
0x155: {  	[tilespmem:$0x17478] =	vst v4  }
0x156: {  	v3 =	vld [tilespmem:s7+$0x10];
	_ =	sdelay $0x2  }
0x157: {  	s29 =	sadd.s32 $0x50, s6  }
0x158: {  	v58 =	vor.u32 s29, v1  }
0x159: {  	vm13 =	vlt.s32 v58, v0;
	v59 =	vshra.s32 v3, $0xE  }
0x15a: {  	v4 =	vnsel vm13, $0x0, v59;
	_ =	sdelay $0x4  }
0x15b: {  	v4 =	vld.idx.msk [tilespmem:v4+s8+$0x0], $0xffff;
	_ =	sdelay $0x2  }
0x15c: {  	v3 =	vand.u32 $0x3FFF, v3  }
0x15d: {  	v3 =	vsel vm13, v3, v6  }
0x15e: {  	[tilespmem:$0x17508] =	vst v3;
	v4 =	vsel vm13, v4, v5  }
0x15f: {  	[tilespmem:$0x17488] =	vst v4  }
0x160: {  	v3 =	vld [tilespmem:s7+$0x20];
	_ =	sdelay $0x2  }
0x161: {  	s30 =	sadd.s32 $0x60, s6  }
0x162: {  	v60 =	vor.u32 s30, v1  }
0x163: {  	vm14 =	vlt.s32 v60, v0;
	v61 =	vshra.s32 v3, $0xE  }
0x164: {  	v4 =	vnsel vm14, $0x0, v61;
	_ =	sdelay $0x4  }
0x165: {  	v4 =	vld.idx.msk [tilespmem:v4+s8+$0x0], $0xffff;
	_ =	sdelay $0x2  }
0x166: {  	v3 =	vand.u32 $0x3FFF, v3  }
0x167: {  	v3 =	vsel vm14, v3, v6  }
0x168: {  	[tilespmem:$0x17518] =	vst v3;
	v4 =	vsel vm14, v4, v5  }
0x169: {  	[tilespmem:$0x17498] =	vst v4  }
0x16a: {  	v3 =	vld [tilespmem:s7+$0x30];
	_ =	sdelay $0x2  }
0x16b: {  	s31 =	sadd.s32 $0x70, s6  }
0x16c: {  	v62 =	vor.u32 s31, v1  }
0x16d: {  	vm15 =	vlt.s32 v62, v0;
	v63 =	vshra.s32 v3, $0xE  }
0x16e: {  	v4 =	vnsel vm15, $0x0, v63;
	_ =	sdelay $0x4  }
0x16f: {  	v4 =	vld.idx.msk [tilespmem:v4+s8+$0x0], $0xffff;
	_ =	sdelay $0x2  }
0x170: {  	v3 =	vand.u32 $0x3FFF, v3  }
0x171: {  	v3 =	vsel vm15, v3, v6  }
0x172: {  	[tilespmem:$0x17528] =	vst v3;
	v4 =	vsel vm15, v4, v5  }
0x173: {  	[tilespmem:$0x174A8] =	vst v4  }
0x174: {  	[tilespmem:s4], [sflag:$0x1] =	stream.indirect.gather [hbm4b:s1+s9], $0x40, s10, s9, $0xb8;
	[tilespmem:$0x19538] =	vst v63  }
0x175: {  	_ =	swait.ge [sflag:s11], $0x2000  }
0x176: {  	p0 =	sne.s32 s5, $0x1;
	[sflag:s11] =	ssyncset.done $0x0  }
.Ltmp5:
0x177: {  	[sflag:s11] =	ssyncadd.s32 $0xFFFFE000;
	(pc) =	sbr.rel @p0 .LBB2_8-.Ltmp5, $4  }
0x178: {  	[hbm4b:s3+s9] =	stream.indirect.scatter [tilespmem:s4], [sflag:$0x1], $0x40, s12, s9, $0xb8;
	[tilespmem:$0x19538] =	vst v63  }
0x179: {  	_ =	swait.ge [sflag:s11], $0x2000  }
0x17a: {  	s6 =	sadd.s32 $0x80, s6;
	[sflag:s11] =	ssyncset.done $0x0  }
0x17b: {  	s5 =	sadd.s32 $0xFFFFFFFF, s5;
	s7 =	sadd.s32 $0x80, s7;
	[sflag:s11] =	ssyncadd.s32 $0xFFFFE000  }
.LBB2_9:
0x17c: {  	_ =	sfence.sel $0x180000  }
0x17d: {  	[bflag:$0x0] =	sbarrier.arrive $0xFFFF  }
0x17e: {  	p0 =	sne.s32 s2, $0x0;
	_ =	strace $0x90000047  }
0x17f: {  	s0 =	sadd.s32 @!p0 $0x100000, s0;
	[bflag:$0x2] =	sbarrier.arrive $0xFFFF  }
0x180: {  	[sflag:s0] =	ssyncadd.tile.s32 @!p0 $0x1;
	_ =	shalt  }
.Lfunc_end2:
_tile_overlayer_lowered:
.L_overlay_start_2:
0x181: {  	(tag) =	ssettag $0x2  }
0x182: {  	s0 =	rddreg [dreg:$0x0];
	s2 =	stileid.u32  }
0x183: {  	s1 =	rddreg [dreg:$0x1];
	p0 =	sne.s32 s2, $0x0  }
0x184: {  	s3 =	rddreg [dreg:$0x2];
	[bflag:$0x3] =	sbarrier.arrive $0xFFFF;
	s2 =	simm.s32 @!p0 $0x1C02  }
0x185: {  	[timem:s3], [sflag:s2] =	dma.local @!p0 [hbm:s0], s1  }
0x186: {  	s0 =	simm.s32 @!p0 $0x2  }
0x187: {  	_ =	swait.ge @!p0 [sflag:s0], s1  }
0x188: {  	s1 =	ssub.s32 @!p0 $0x0, s1;
	[sflag:s0] =	ssyncset.done @!p0 $0x0  }
0x189: {  	[sflag:s0] =	ssyncadd.s32 @!p0 s1  }
0x18a: {  	[bflag:$0x3] =	sbarrier.arrive $0xFFFF  }
0x18b: {  	_ =	shalt  }

</sc_bundles>
